<compile_context>
chip_gen: v7x
topology: tpu7x:2x2x1
jax: 0.10.2.dev20260603
libtpu: 0.0.44.dev20260713+nightly
codegen_flags: <defaults>
</compile_context>

<pallas_src>
import jax
import jax.numpy as jnp
from jax import lax
from jax.experimental import pallas as pl
from jax.experimental.pallas import tpu as pltpu
from jax.experimental.pallas import tpu_sc as plsc

B = 4
SEQ = 2048
DIM = 128
NC, NS = 2, 16
NW = NC * NS
TW = SEQ // NW


def _body(idx_hbm, tok_hbm, pos_hbm, out_hbm, idx_v, rows_v, pos_s,
          sems_g, sems_c, sem_o, sem_i, sem_s):
    sid = lax.axis_index("s")
    wid = sid * NC + lax.axis_index("c")
    t0 = wid * TW

    icps = [pltpu.async_copy(idx_hbm.at[b, pl.ds(t0, TW)], idx_v.at[b],
                             sem_i) for b in range(B)]
    ps = pos_s.at[pl.ds(sid * TW, TW)]
    ccp0 = pltpu.async_copy(pos_hbm.at[pl.ds(t0, TW)],
                            rows_v.at[pl.ds(0, TW)], sems_c[0])
    pltpu.async_copy(pos_hbm.at[pl.ds(t0, TW)], ps, sem_s).wait()
    ccps = [ccp0] + [
        pltpu.async_copy(ps, rows_v.at[pl.ds(b * TW, TW)], sems_c[b])
        for b in range(1, B)]

    gcps = []
    for b in range(B):
        icps[b].wait()
        ccps[b].wait()
        gcps.append(pltpu.async_copy(
            tok_hbm.at[idx_v.at[b]], rows_v.at[pl.ds(b * TW, TW)],
            sems_g[b], add=True))

    ocps = []
    for b in range(B):
        gcps[b].wait()
        ocps.append(pltpu.async_copy(
            rows_v.at[pl.ds(b * TW, TW)],
            out_hbm.at[b, pl.ds(t0, TW)], sem_o))
    for o in ocps:
        o.wait()


@jax.jit
def _combined_lookup(idx, token_table, position_table):
    mesh = plsc.VectorSubcoreMesh(core_axis_name="c", subcore_axis_name="s",
                                  num_cores=NC, num_subcores=NS)
    k = pl.kernel(
        _body,
        out_type=jax.ShapeDtypeStruct((B, SEQ, DIM), jnp.float32),
        mesh=mesh,
        scratch_types=[
            pltpu.VMEM((B, TW), jnp.int32),
            pltpu.VMEM((B * TW, DIM), jnp.float32),
            pltpu.VMEM_SHARED((NS * TW, DIM), jnp.float32),
            [pltpu.SemaphoreType.DMA] * B,
            [pltpu.SemaphoreType.DMA] * B,
            pltpu.SemaphoreType.DMA,
            pltpu.SemaphoreType.DMA,
            pltpu.SemaphoreType.DMA,
        ],
    )
    return k(idx, token_table, position_table)


def kernel(idx, T, token_table, position_table):
    del T
    return _combined_lookup(idx.astype(jnp.int32), token_table,
                            position_table)

# --- scband reference (transcript-rebuilt; emitter-appended) ---
"""Pipeline reference for scband-combined-input-68212670595401 (READ-ONLY COPY).

The authoritative reference and input builder live on the scoring server;
editing this copy changes nothing except your own understanding.
"""

import jax, jax.numpy as jnp
import numpy as np

VOCAB = 1000000
MAX_POS = 2048
DIM = 128
B = 4
SEQ = 2048

def setup_inputs(seed: int = 0) -> dict:
    key = jax.random.key(seed)
    k1, k2, k3 = jax.random.split(key, 3)
    idx = jax.random.randint(k1, (B, SEQ), 0, VOCAB, dtype=jnp.int64 if jax.config.jax_enable_x64 else jnp.int32)
    token_table = jax.random.normal(k2, (VOCAB, DIM), dtype=jnp.float32) * 0.02
    position_table = jax.random.normal(k3, (MAX_POS, DIM), dtype=jnp.float32) * 0.02
    return {"idx": idx, "T": SEQ, "token_table": token_table, "position_table": position_table}

def reference(idx, T, token_table, position_table):
    # token embedding lookup: gather rows of token_table
    token_embed = jnp.take(token_table, idx, axis=0)              # [B, T, DIM]
    # position embedding lookup over arange(T)
    positions = jnp.arange(idx.shape[1]) + (T - idx.shape[1])
    position_embed = jnp.take(position_table, positions, axis=0)  # [T, DIM]
    combined_input = token_embed + position_embed[None, :, :]    # broadcast over batch
    return combined_input

if __name__ == "__main__":
    import jax
    _d = setup_inputs()
    print(jax.jit(kernel)(*tuple(_d.values())))

</pallas_src>

<mosaic_0001>
#map = affine_map<(d0, d1) -> (0, 0)>
#map1 = affine_map<(d0, d1) -> (0, 0, 0)>
module attributes {stable_mosaic.version = 14 : i64} {
  func.func @_body(%arg0: i32, %arg1: i32, %arg2: memref<4x2048xi32, #tpu.memory_space<hbm>>, %arg3: memref<1000000x128xf32, #tpu.memory_space<hbm>>, %arg4: memref<2048x128xf32, #tpu.memory_space<hbm>>, %arg5: memref<4x2048x128xf32, #tpu.memory_space<hbm>>, %arg6: memref<4x64xi32, #tpu.memory_space<vmem>>, %arg7: memref<256x128xf32, #tpu.memory_space<vmem>>, %arg8: memref<1024x128xf32, #tpu.memory_space<vmem_shared>>, %arg9: memref<!tpu.dma_semaphore, #tpu.memory_space<semaphore_mem>>, %arg10: memref<!tpu.dma_semaphore, #tpu.memory_space<semaphore_mem>>, %arg11: memref<!tpu.dma_semaphore, #tpu.memory_space<semaphore_mem>>, %arg12: memref<!tpu.dma_semaphore, #tpu.memory_space<semaphore_mem>>, %arg13: memref<!tpu.dma_semaphore, #tpu.memory_space<semaphore_mem>>, %arg14: memref<!tpu.dma_semaphore, #tpu.memory_space<semaphore_mem>>, %arg15: memref<!tpu.dma_semaphore, #tpu.memory_space<semaphore_mem>>, %arg16: memref<!tpu.dma_semaphore, #tpu.memory_space<semaphore_mem>>, %arg17: memref<!tpu.dma_semaphore, #tpu.memory_space<semaphore_mem>>, %arg18: memref<!tpu.dma_semaphore, #tpu.memory_space<semaphore_mem>>, %arg19: memref<!tpu.dma_semaphore, #tpu.memory_space<semaphore_mem>>) attributes {dimension_semantics = [#tpu.dimension_semantics<core_parallel>, #tpu.dimension_semantics<subcore_parallel>], iteration_bounds = array<i64: 2, 16>, scalar_prefetch = 0 : i64, scratch_operands = 14 : i64, tpu.core_type = #tpu.core_type<sc_vector_subcore>, window_params = [{transform_indices = #map}, {transform_indices = #map}, {transform_indices = #map}, {transform_indices = #map1}]} {
    %mul3A = arith.constant 2 : i32
    %mul3A_0 = arith.muli %arg1, %mul3A : i32
    %add3A = arith.addi %mul3A_0, %arg0 : i32
    %mul3A_1 = arith.constant 64 : i32
    %mul3A_2 = arith.muli %add3A, %mul3A_1 : i32
    %dma_start3A = arith.constant 0 : i32
    %dma_start3A_3 = arith.constant 0 : i32
    %dma_start3A_4 = arith.constant 0 : i32
    %dma_start3A_5 = tpu.memref_slice %arg6[%dma_start3A_3, %dma_start3A_4] : memref<4x64xi32, #tpu.memory_space<vmem>> -> memref<1x64xi32, #tpu.memory_space<vmem>>
    %dma_start3A_6 = tpu.memref_squeeze %dma_start3A_5 : memref<1x64xi32, #tpu.memory_space<vmem>> -> memref<64xi32, #tpu.memory_space<vmem>>
    %dma_start3A_7 = tpu.memref_slice %arg2[%dma_start3A, %mul3A_2] : memref<4x2048xi32, #tpu.memory_space<hbm>> -> memref<1x64xi32, #tpu.memory_space<hbm>>
    %dma_start3A_8 = tpu.memref_squeeze %dma_start3A_7 : memref<1x64xi32, #tpu.memory_space<hbm>> -> memref<64xi32, #tpu.memory_space<hbm>>
    %dma_start3A_9 = arith.constant 0 : i32
    %dma_start3A_10 = tpu.memref_slice %arg6[%dma_start3A_3, %dma_start3A_9] : memref<4x64xi32, #tpu.memory_space<vmem>> -> memref<1x64xi32, #tpu.memory_space<vmem>>
    %dma_start3A_11 = tpu.memref_squeeze %dma_start3A_10 : memref<1x64xi32, #tpu.memory_space<vmem>> -> memref<64xi32, #tpu.memory_space<vmem>>
    %dma_start3A_12 = tpu.memref_slice %arg2[%dma_start3A, %mul3A_2] : memref<4x2048xi32, #tpu.memory_space<hbm>> -> memref<1x64xi32, #tpu.memory_space<hbm>>
    %dma_start3A_13 = tpu.memref_squeeze %dma_start3A_12 : memref<1x64xi32, #tpu.memory_space<hbm>> -> memref<64xi32, #tpu.memory_space<hbm>>
    tpu.enqueue_dma source(%dma_start3A_13 : memref<64xi32, #tpu.memory_space<hbm>>) target(%dma_start3A_11 : memref<64xi32, #tpu.memory_space<vmem>>) target_semaphore(%arg18 : memref<!tpu.dma_semaphore, #tpu.memory_space<semaphore_mem>>)
    %dma_start3A_14 = arith.constant 1 : i32
    %dma_start3A_15 = arith.constant 1 : i32
    %dma_start3A_16 = arith.constant 0 : i32
    %dma_start3A_17 = tpu.memref_slice %arg6[%dma_start3A_15, %dma_start3A_16] : memref<4x64xi32, #tpu.memory_space<vmem>> -> memref<1x64xi32, #tpu.memory_space<vmem>>
    %dma_start3A_18 = tpu.memref_squeeze %dma_start3A_17 : memref<1x64xi32, #tpu.memory_space<vmem>> -> memref<64xi32, #tpu.memory_space<vmem>>
    %dma_start3A_19 = tpu.memref_slice %arg2[%dma_start3A_14, %mul3A_2] : memref<4x2048xi32, #tpu.memory_space<hbm>> -> memref<1x64xi32, #tpu.memory_space<hbm>>
    %dma_start3A_20 = tpu.memref_squeeze %dma_start3A_19 : memref<1x64xi32, #tpu.memory_space<hbm>> -> memref<64xi32, #tpu.memory_space<hbm>>
    %dma_start3A_21 = arith.constant 0 : i32
    %dma_start3A_22 = tpu.memref_slice %arg6[%dma_start3A_15, %dma_start3A_21] : memref<4x64xi32, #tpu.memory_space<vmem>> -> memref<1x64xi32, #tpu.memory_space<vmem>>
    %dma_start3A_23 = tpu.memref_squeeze %dma_start3A_22 : memref<1x64xi32, #tpu.memory_space<vmem>> -> memref<64xi32, #tpu.memory_space<vmem>>
    %dma_start3A_24 = tpu.memref_slice %arg2[%dma_start3A_14, %mul3A_2] : memref<4x2048xi32, #tpu.memory_space<hbm>> -> memref<1x64xi32, #tpu.memory_space<hbm>>
    %dma_start3A_25 = tpu.memref_squeeze %dma_start3A_24 : memref<1x64xi32, #tpu.memory_space<hbm>> -> memref<64xi32, #tpu.memory_space<hbm>>
    tpu.enqueue_dma source(%dma_start3A_25 : memref<64xi32, #tpu.memory_space<hbm>>) target(%dma_start3A_23 : memref<64xi32, #tpu.memory_space<vmem>>) target_semaphore(%arg18 : memref<!tpu.dma_semaphore, #tpu.memory_space<semaphore_mem>>)
    %dma_start3A_26 = arith.constant 2 : i32
    %dma_start3A_27 = arith.constant 2 : i32
    %dma_start3A_28 = arith.constant 0 : i32
    %dma_start3A_29 = tpu.memref_slice %arg6[%dma_start3A_27, %dma_start3A_28] : memref<4x64xi32, #tpu.memory_space<vmem>> -> memref<1x64xi32, #tpu.memory_space<vmem>>
    %dma_start3A_30 = tpu.memref_squeeze %dma_start3A_29 : memref<1x64xi32, #tpu.memory_space<vmem>> -> memref<64xi32, #tpu.memory_space<vmem>>
    %dma_start3A_31 = tpu.memref_slice %arg2[%dma_start3A_26, %mul3A_2] : memref<4x2048xi32, #tpu.memory_space<hbm>> -> memref<1x64xi32, #tpu.memory_space<hbm>>
    %dma_start3A_32 = tpu.memref_squeeze %dma_start3A_31 : memref<1x64xi32, #tpu.memory_space<hbm>> -> memref<64xi32, #tpu.memory_space<hbm>>
    %dma_start3A_33 = arith.constant 0 : i32
    %dma_start3A_34 = tpu.memref_slice %arg6[%dma_start3A_27, %dma_start3A_33] : memref<4x64xi32, #tpu.memory_space<vmem>> -> memref<1x64xi32, #tpu.memory_space<vmem>>
    %dma_start3A_35 = tpu.memref_squeeze %dma_start3A_34 : memref<1x64xi32, #tpu.memory_space<vmem>> -> memref<64xi32, #tpu.memory_space<vmem>>
    %dma_start3A_36 = tpu.memref_slice %arg2[%dma_start3A_26, %mul3A_2] : memref<4x2048xi32, #tpu.memory_space<hbm>> -> memref<1x64xi32, #tpu.memory_space<hbm>>
    %dma_start3A_37 = tpu.memref_squeeze %dma_start3A_36 : memref<1x64xi32, #tpu.memory_space<hbm>> -> memref<64xi32, #tpu.memory_space<hbm>>
    tpu.enqueue_dma source(%dma_start3A_37 : memref<64xi32, #tpu.memory_space<hbm>>) target(%dma_start3A_35 : memref<64xi32, #tpu.memory_space<vmem>>) target_semaphore(%arg18 : memref<!tpu.dma_semaphore, #tpu.memory_space<semaphore_mem>>)
    %dma_start3A_38 = arith.constant 3 : i32
    %dma_start3A_39 = arith.constant 3 : i32
    %dma_start3A_40 = arith.constant 0 : i32
    %dma_start3A_41 = tpu.memref_slice %arg6[%dma_start3A_39, %dma_start3A_40] : memref<4x64xi32, #tpu.memory_space<vmem>> -> memref<1x64xi32, #tpu.memory_space<vmem>>
    %dma_start3A_42 = tpu.memref_squeeze %dma_start3A_41 : memref<1x64xi32, #tpu.memory_space<vmem>> -> memref<64xi32, #tpu.memory_space<vmem>>
    %dma_start3A_43 = tpu.memref_slice %arg2[%dma_start3A_38, %mul3A_2] : memref<4x2048xi32, #tpu.memory_space<hbm>> -> memref<1x64xi32, #tpu.memory_space<hbm>>
    %dma_start3A_44 = tpu.memref_squeeze %dma_start3A_43 : memref<1x64xi32, #tpu.memory_space<hbm>> -> memref<64xi32, #tpu.memory_space<hbm>>
    %dma_start3A_45 = arith.constant 0 : i32
    %dma_start3A_46 = tpu.memref_slice %arg6[%dma_start3A_39, %dma_start3A_45] : memref<4x64xi32, #tpu.memory_space<vmem>> -> memref<1x64xi32, #tpu.memory_space<vmem>>
    %dma_start3A_47 = tpu.memref_squeeze %dma_start3A_46 : memref<1x64xi32, #tpu.memory_space<vmem>> -> memref<64xi32, #tpu.memory_space<vmem>>
    %dma_start3A_48 = tpu.memref_slice %arg2[%dma_start3A_38, %mul3A_2] : memref<4x2048xi32, #tpu.memory_space<hbm>> -> memref<1x64xi32, #tpu.memory_space<hbm>>
    %dma_start3A_49 = tpu.memref_squeeze %dma_start3A_48 : memref<1x64xi32, #tpu.memory_space<hbm>> -> memref<64xi32, #tpu.memory_space<hbm>>
    tpu.enqueue_dma source(%dma_start3A_49 : memref<64xi32, #tpu.memory_space<hbm>>) target(%dma_start3A_47 : memref<64xi32, #tpu.memory_space<vmem>>) target_semaphore(%arg18 : memref<!tpu.dma_semaphore, #tpu.memory_space<semaphore_mem>>)
    %mul3A_50 = arith.constant 64 : i32
    %mul3A_51 = arith.muli %arg1, %mul3A_50 : i32
    %dma_start3A_52 = arith.constant 0 : i32
    %dma_start3A_53 = arith.constant 0 : i32
    %dma_start3A_54 = tpu.memref_slice %arg7[%dma_start3A_52, %dma_start3A_53] : memref<256x128xf32, #tpu.memory_space<vmem>> -> memref<64x128xf32, #tpu.memory_space<vmem>>
    %dma_start3A_55 = arith.constant 0 : i32
    %dma_start3A_56 = tpu.memref_slice %arg4[%mul3A_2, %dma_start3A_55] : memref<2048x128xf32, #tpu.memory_space<hbm>> -> memref<64x128xf32, #tpu.memory_space<hbm>>
    %dma_start3A_57 = arith.constant 0 : i32
    %dma_start3A_58 = arith.constant 0 : i32
    %dma_start3A_59 = tpu.memref_slice %arg7[%dma_start3A_57, %dma_start3A_58] : memref<256x128xf32, #tpu.memory_space<vmem>> -> memref<64x128xf32, #tpu.memory_space<vmem>>
    %dma_start3A_60 = arith.constant 0 : i32
    %dma_start3A_61 = tpu.memref_slice %arg4[%mul3A_2, %dma_start3A_60] : memref<2048x128xf32, #tpu.memory_space<hbm>> -> memref<64x128xf32, #tpu.memory_space<hbm>>
    tpu.enqueue_dma source(%dma_start3A_61 : memref<64x128xf32, #tpu.memory_space<hbm>>) target(%dma_start3A_59 : memref<64x128xf32, #tpu.memory_space<vmem>>) target_semaphore(%arg13 : memref<!tpu.dma_semaphore, #tpu.memory_space<semaphore_mem>>)
    %dma_start3A_62 = arith.constant 0 : i32
    %dma_start3A_63 = tpu.memref_slice %arg8[%mul3A_51, %dma_start3A_62] : memref<1024x128xf32, #tpu.memory_space<vmem_shared>> -> memref<64x128xf32, #tpu.memory_space<vmem_shared>>
    %dma_start3A_64 = arith.constant 0 : i32
    %dma_start3A_65 = tpu.memref_slice %arg4[%mul3A_2, %dma_start3A_64] : memref<2048x128xf32, #tpu.memory_space<hbm>> -> memref<64x128xf32, #tpu.memory_space<hbm>>
    tpu.enqueue_dma source(%dma_start3A_65 : memref<64x128xf32, #tpu.memory_space<hbm>>) target(%dma_start3A_63 : memref<64x128xf32, #tpu.memory_space<vmem_shared>>) target_semaphore(%arg19 : memref<!tpu.dma_semaphore, #tpu.memory_space<semaphore_mem>>)
    %dma_wait3A = arith.constant 0 : i32
    %dma_wait3A_66 = tpu.memref_slice %arg8[%mul3A_51, %dma_wait3A] : memref<1024x128xf32, #tpu.memory_space<vmem_shared>> -> memref<64x128xf32, #tpu.memory_space<vmem_shared>>
    %dma_wait3A_67 = arith.constant 0 : i32
    %dma_wait3A_68 = tpu.memref_slice %arg4[%mul3A_2, %dma_wait3A_67] : memref<2048x128xf32, #tpu.memory_space<hbm>> -> memref<64x128xf32, #tpu.memory_space<hbm>>
    tpu.wait_dma2 semaphore(%arg19 : memref<!tpu.dma_semaphore, #tpu.memory_space<semaphore_mem>>) src(%dma_wait3A_68 : memref<64x128xf32, #tpu.memory_space<hbm>>) dst(%dma_wait3A_66 : memref<64x128xf32, #tpu.memory_space<vmem_shared>>)
    %dma_start3A_69 = arith.constant 64 : i32
    %dma_start3A_70 = arith.constant 0 : i32
    %dma_start3A_71 = tpu.memref_slice %arg7[%dma_start3A_69, %dma_start3A_70] : memref<256x128xf32, #tpu.memory_space<vmem>> -> memref<64x128xf32, #tpu.memory_space<vmem>>
    %dma_start3A_72 = arith.constant 0 : i32
    %dma_start3A_73 = tpu.memref_slice %arg8[%mul3A_51, %dma_start3A_72] : memref<1024x128xf32, #tpu.memory_space<vmem_shared>> -> memref<64x128xf32, #tpu.memory_space<vmem_shared>>
    %dma_start3A_74 = arith.constant 64 : i32
    %dma_start3A_75 = arith.constant 0 : i32
    %dma_start3A_76 = tpu.memref_slice %arg7[%dma_start3A_74, %dma_start3A_75] : memref<256x128xf32, #tpu.memory_space<vmem>> -> memref<64x128xf32, #tpu.memory_space<vmem>>
    %dma_start3A_77 = arith.constant 0 : i32
    %dma_start3A_78 = tpu.memref_slice %arg8[%mul3A_51, %dma_start3A_77] : memref<1024x128xf32, #tpu.memory_space<vmem_shared>> -> memref<64x128xf32, #tpu.memory_space<vmem_shared>>
    tpu.enqueue_dma source(%dma_start3A_78 : memref<64x128xf32, #tpu.memory_space<vmem_shared>>) target(%dma_start3A_76 : memref<64x128xf32, #tpu.memory_space<vmem>>) target_semaphore(%arg14 : memref<!tpu.dma_semaphore, #tpu.memory_space<semaphore_mem>>)
    %dma_start3A_79 = arith.constant 128 : i32
    %dma_start3A_80 = arith.constant 0 : i32
    %dma_start3A_81 = tpu.memref_slice %arg7[%dma_start3A_79, %dma_start3A_80] : memref<256x128xf32, #tpu.memory_space<vmem>> -> memref<64x128xf32, #tpu.memory_space<vmem>>
    %dma_start3A_82 = arith.constant 0 : i32
    %dma_start3A_83 = tpu.memref_slice %arg8[%mul3A_51, %dma_start3A_82] : memref<1024x128xf32, #tpu.memory_space<vmem_shared>> -> memref<64x128xf32, #tpu.memory_space<vmem_shared>>
    %dma_start3A_84 = arith.constant 128 : i32
    %dma_start3A_85 = arith.constant 0 : i32
    %dma_start3A_86 = tpu.memref_slice %arg7[%dma_start3A_84, %dma_start3A_85] : memref<256x128xf32, #tpu.memory_space<vmem>> -> memref<64x128xf32, #tpu.memory_space<vmem>>
    %dma_start3A_87 = arith.constant 0 : i32
    %dma_start3A_88 = tpu.memref_slice %arg8[%mul3A_51, %dma_start3A_87] : memref<1024x128xf32, #tpu.memory_space<vmem_shared>> -> memref<64x128xf32, #tpu.memory_space<vmem_shared>>
    tpu.enqueue_dma source(%dma_start3A_88 : memref<64x128xf32, #tpu.memory_space<vmem_shared>>) target(%dma_start3A_86 : memref<64x128xf32, #tpu.memory_space<vmem>>) target_semaphore(%arg15 : memref<!tpu.dma_semaphore, #tpu.memory_space<semaphore_mem>>)
    %dma_start3A_89 = arith.constant 192 : i32
    %dma_start3A_90 = arith.constant 0 : i32
    %dma_start3A_91 = tpu.memref_slice %arg7[%dma_start3A_89, %dma_start3A_90] : memref<256x128xf32, #tpu.memory_space<vmem>> -> memref<64x128xf32, #tpu.memory_space<vmem>>
    %dma_start3A_92 = arith.constant 0 : i32
    %dma_start3A_93 = tpu.memref_slice %arg8[%mul3A_51, %dma_start3A_92] : memref<1024x128xf32, #tpu.memory_space<vmem_shared>> -> memref<64x128xf32, #tpu.memory_space<vmem_shared>>
    %dma_start3A_94 = arith.constant 192 : i32
    %dma_start3A_95 = arith.constant 0 : i32
    %dma_start3A_96 = tpu.memref_slice %arg7[%dma_start3A_94, %dma_start3A_95] : memref<256x128xf32, #tpu.memory_space<vmem>> -> memref<64x128xf32, #tpu.memory_space<vmem>>
    %dma_start3A_97 = arith.constant 0 : i32
    %dma_start3A_98 = tpu.memref_slice %arg8[%mul3A_51, %dma_start3A_97] : memref<1024x128xf32, #tpu.memory_space<vmem_shared>> -> memref<64x128xf32, #tpu.memory_space<vmem_shared>>
    tpu.enqueue_dma source(%dma_start3A_98 : memref<64x128xf32, #tpu.memory_space<vmem_shared>>) target(%dma_start3A_96 : memref<64x128xf32, #tpu.memory_space<vmem>>) target_semaphore(%arg16 : memref<!tpu.dma_semaphore, #tpu.memory_space<semaphore_mem>>)
    %dma_wait3A_99 = arith.constant 0 : i32
    %dma_wait3A_100 = arith.constant 0 : i32
    %dma_wait3A_101 = arith.constant 0 : i32
    %dma_wait3A_102 = tpu.memref_slice %arg6[%dma_wait3A_100, %dma_wait3A_101] : memref<4x64xi32, #tpu.memory_space<vmem>> -> memref<1x64xi32, #tpu.memory_space<vmem>>
    %dma_wait3A_103 = tpu.memref_squeeze %dma_wait3A_102 : memref<1x64xi32, #tpu.memory_space<vmem>> -> memref<64xi32, #tpu.memory_space<vmem>>
    %dma_wait3A_104 = tpu.memref_slice %arg2[%dma_wait3A_99, %mul3A_2] : memref<4x2048xi32, #tpu.memory_space<hbm>> -> memref<1x64xi32, #tpu.memory_space<hbm>>
    %dma_wait3A_105 = tpu.memref_squeeze %dma_wait3A_104 : memref<1x64xi32, #tpu.memory_space<hbm>> -> memref<64xi32, #tpu.memory_space<hbm>>
    %dma_wait3A_106 = arith.constant 0 : i32
    %dma_wait3A_107 = tpu.memref_slice %arg6[%dma_wait3A_100, %dma_wait3A_106] : memref<4x64xi32, #tpu.memory_space<vmem>> -> memref<1x64xi32, #tpu.memory_space<vmem>>
    %dma_wait3A_108 = tpu.memref_squeeze %dma_wait3A_107 : memref<1x64xi32, #tpu.memory_space<vmem>> -> memref<64xi32, #tpu.memory_space<vmem>>
    %dma_wait3A_109 = tpu.memref_slice %arg2[%dma_wait3A_99, %mul3A_2] : memref<4x2048xi32, #tpu.memory_space<hbm>> -> memref<1x64xi32, #tpu.memory_space<hbm>>
    %dma_wait3A_110 = tpu.memref_squeeze %dma_wait3A_109 : memref<1x64xi32, #tpu.memory_space<hbm>> -> memref<64xi32, #tpu.memory_space<hbm>>
    tpu.wait_dma2 semaphore(%arg18 : memref<!tpu.dma_semaphore, #tpu.memory_space<semaphore_mem>>) src(%dma_wait3A_110 : memref<64xi32, #tpu.memory_space<hbm>>) dst(%dma_wait3A_108 : memref<64xi32, #tpu.memory_space<vmem>>)
    %dma_wait3A_111 = arith.constant 0 : i32
    %dma_wait3A_112 = arith.constant 0 : i32
    %dma_wait3A_113 = tpu.memref_slice %arg7[%dma_wait3A_111, %dma_wait3A_112] : memref<256x128xf32, #tpu.memory_space<vmem>> -> memref<64x128xf32, #tpu.memory_space<vmem>>
    %dma_wait3A_114 = arith.constant 0 : i32
    %dma_wait3A_115 = tpu.memref_slice %arg4[%mul3A_2, %dma_wait3A_114] : memref<2048x128xf32, #tpu.memory_space<hbm>> -> memref<64x128xf32, #tpu.memory_space<hbm>>
    %dma_wait3A_116 = arith.constant 0 : i32
    %dma_wait3A_117 = arith.constant 0 : i32
    %dma_wait3A_118 = tpu.memref_slice %arg7[%dma_wait3A_116, %dma_wait3A_117] : memref<256x128xf32, #tpu.memory_space<vmem>> -> memref<64x128xf32, #tpu.memory_space<vmem>>
    %dma_wait3A_119 = arith.constant 0 : i32
    %dma_wait3A_120 = tpu.memref_slice %arg4[%mul3A_2, %dma_wait3A_119] : memref<2048x128xf32, #tpu.memory_space<hbm>> -> memref<64x128xf32, #tpu.memory_space<hbm>>
    tpu.wait_dma2 semaphore(%arg13 : memref<!tpu.dma_semaphore, #tpu.memory_space<semaphore_mem>>) src(%dma_wait3A_120 : memref<64x128xf32, #tpu.memory_space<hbm>>) dst(%dma_wait3A_118 : memref<64x128xf32, #tpu.memory_space<vmem>>)
    %dma_start3A_121 = arith.constant 0 : i32
    %dma_start3A_122 = arith.constant 0 : i32
    %dma_start3A_123 = arith.constant 0 : i32
    %dma_start3A_124 = tpu.memref_slice %arg7[%dma_start3A_122, %dma_start3A_123] : memref<256x128xf32, #tpu.memory_space<vmem>> -> memref<64x128xf32, #tpu.memory_space<vmem>>
    %dma_start3A_125 = arith.constant 0 : i32
    %dma_start3A_126 = tpu.memref_slice %arg6[%dma_start3A_121, %dma_start3A_125] : memref<4x64xi32, #tpu.memory_space<vmem>> -> memref<1x64xi32, #tpu.memory_space<vmem>>
    %dma_start3A_127 = tpu.memref_squeeze %dma_start3A_126 : memref<1x64xi32, #tpu.memory_space<vmem>> -> memref<64xi32, #tpu.memory_space<vmem>>
    %dma_start3A_128 = arith.constant 0 : i32
    %dma_start3A_129 = arith.constant 0 : i32
    %dma_start3A_130 = tpu.memref_slice %arg3[%dma_start3A_128, %dma_start3A_129] : memref<1000000x128xf32, #tpu.memory_space<hbm>> -> memref<1000000x128xf32, #tpu.memory_space<hbm>>
    tpu.enqueue_indirect_dma source(%dma_start3A_130 : memref<1000000x128xf32, #tpu.memory_space<hbm>>) target(%dma_start3A_124 : memref<64x128xf32, #tpu.memory_space<vmem>>) offsets(%dma_start3A_127 : memref<64xi32, #tpu.memory_space<vmem>>) semaphore(%arg9 : memref<!tpu.dma_semaphore, #tpu.memory_space<semaphore_mem>>) {add = true}
    %dma_wait3A_131 = arith.constant 1 : i32
    %dma_wait3A_132 = arith.constant 1 : i32
    %dma_wait3A_133 = arith.constant 0 : i32
    %dma_wait3A_134 = tpu.memref_slice %arg6[%dma_wait3A_132, %dma_wait3A_133] : memref<4x64xi32, #tpu.memory_space<vmem>> -> memref<1x64xi32, #tpu.memory_space<vmem>>
    %dma_wait3A_135 = tpu.memref_squeeze %dma_wait3A_134 : memref<1x64xi32, #tpu.memory_space<vmem>> -> memref<64xi32, #tpu.memory_space<vmem>>
    %dma_wait3A_136 = tpu.memref_slice %arg2[%dma_wait3A_131, %mul3A_2] : memref<4x2048xi32, #tpu.memory_space<hbm>> -> memref<1x64xi32, #tpu.memory_space<hbm>>
    %dma_wait3A_137 = tpu.memref_squeeze %dma_wait3A_136 : memref<1x64xi32, #tpu.memory_space<hbm>> -> memref<64xi32, #tpu.memory_space<hbm>>
    %dma_wait3A_138 = arith.constant 0 : i32
    %dma_wait3A_139 = tpu.memref_slice %arg6[%dma_wait3A_132, %dma_wait3A_138] : memref<4x64xi32, #tpu.memory_space<vmem>> -> memref<1x64xi32, #tpu.memory_space<vmem>>
    %dma_wait3A_140 = tpu.memref_squeeze %dma_wait3A_139 : memref<1x64xi32, #tpu.memory_space<vmem>> -> memref<64xi32, #tpu.memory_space<vmem>>
    %dma_wait3A_141 = tpu.memref_slice %arg2[%dma_wait3A_131, %mul3A_2] : memref<4x2048xi32, #tpu.memory_space<hbm>> -> memref<1x64xi32, #tpu.memory_space<hbm>>
    %dma_wait3A_142 = tpu.memref_squeeze %dma_wait3A_141 : memref<1x64xi32, #tpu.memory_space<hbm>> -> memref<64xi32, #tpu.memory_space<hbm>>
    tpu.wait_dma2 semaphore(%arg18 : memref<!tpu.dma_semaphore, #tpu.memory_space<semaphore_mem>>) src(%dma_wait3A_142 : memref<64xi32, #tpu.memory_space<hbm>>) dst(%dma_wait3A_140 : memref<64xi32, #tpu.memory_space<vmem>>)
    %dma_wait3A_143 = arith.constant 64 : i32
    %dma_wait3A_144 = arith.constant 0 : i32
    %dma_wait3A_145 = tpu.memref_slice %arg7[%dma_wait3A_143, %dma_wait3A_144] : memref<256x128xf32, #tpu.memory_space<vmem>> -> memref<64x128xf32, #tpu.memory_space<vmem>>
    %dma_wait3A_146 = arith.constant 0 : i32
    %dma_wait3A_147 = tpu.memref_slice %arg8[%mul3A_51, %dma_wait3A_146] : memref<1024x128xf32, #tpu.memory_space<vmem_shared>> -> memref<64x128xf32, #tpu.memory_space<vmem_shared>>
    %dma_wait3A_148 = arith.constant 64 : i32
    %dma_wait3A_149 = arith.constant 0 : i32
    %dma_wait3A_150 = tpu.memref_slice %arg7[%dma_wait3A_148, %dma_wait3A_149] : memref<256x128xf32, #tpu.memory_space<vmem>> -> memref<64x128xf32, #tpu.memory_space<vmem>>
    %dma_wait3A_151 = arith.constant 0 : i32
    %dma_wait3A_152 = tpu.memref_slice %arg8[%mul3A_51, %dma_wait3A_151] : memref<1024x128xf32, #tpu.memory_space<vmem_shared>> -> memref<64x128xf32, #tpu.memory_space<vmem_shared>>
    tpu.wait_dma2 semaphore(%arg14 : memref<!tpu.dma_semaphore, #tpu.memory_space<semaphore_mem>>) src(%dma_wait3A_152 : memref<64x128xf32, #tpu.memory_space<vmem_shared>>) dst(%dma_wait3A_150 : memref<64x128xf32, #tpu.memory_space<vmem>>)
    %dma_start3A_153 = arith.constant 1 : i32
    %dma_start3A_154 = arith.constant 64 : i32
    %dma_start3A_155 = arith.constant 0 : i32
    %dma_start3A_156 = tpu.memref_slice %arg7[%dma_start3A_154, %dma_start3A_155] : memref<256x128xf32, #tpu.memory_space<vmem>> -> memref<64x128xf32, #tpu.memory_space<vmem>>
    %dma_start3A_157 = arith.constant 0 : i32
    %dma_start3A_158 = tpu.memref_slice %arg6[%dma_start3A_153, %dma_start3A_157] : memref<4x64xi32, #tpu.memory_space<vmem>> -> memref<1x64xi32, #tpu.memory_space<vmem>>
    %dma_start3A_159 = tpu.memref_squeeze %dma_start3A_158 : memref<1x64xi32, #tpu.memory_space<vmem>> -> memref<64xi32, #tpu.memory_space<vmem>>
    %dma_start3A_160 = arith.constant 0 : i32
    %dma_start3A_161 = arith.constant 0 : i32
    %dma_start3A_162 = tpu.memref_slice %arg3[%dma_start3A_160, %dma_start3A_161] : memref<1000000x128xf32, #tpu.memory_space<hbm>> -> memref<1000000x128xf32, #tpu.memory_space<hbm>>
    tpu.enqueue_indirect_dma source(%dma_start3A_162 : memref<1000000x128xf32, #tpu.memory_space<hbm>>) target(%dma_start3A_156 : memref<64x128xf32, #tpu.memory_space<vmem>>) offsets(%dma_start3A_159 : memref<64xi32, #tpu.memory_space<vmem>>) semaphore(%arg10 : memref<!tpu.dma_semaphore, #tpu.memory_space<semaphore_mem>>) {add = true}
    %dma_wait3A_163 = arith.constant 2 : i32
    %dma_wait3A_164 = arith.constant 2 : i32
    %dma_wait3A_165 = arith.constant 0 : i32
    %dma_wait3A_166 = tpu.memref_slice %arg6[%dma_wait3A_164, %dma_wait3A_165] : memref<4x64xi32, #tpu.memory_space<vmem>> -> memref<1x64xi32, #tpu.memory_space<vmem>>
    %dma_wait3A_167 = tpu.memref_squeeze %dma_wait3A_166 : memref<1x64xi32, #tpu.memory_space<vmem>> -> memref<64xi32, #tpu.memory_space<vmem>>
    %dma_wait3A_168 = tpu.memref_slice %arg2[%dma_wait3A_163, %mul3A_2] : memref<4x2048xi32, #tpu.memory_space<hbm>> -> memref<1x64xi32, #tpu.memory_space<hbm>>
    %dma_wait3A_169 = tpu.memref_squeeze %dma_wait3A_168 : memref<1x64xi32, #tpu.memory_space<hbm>> -> memref<64xi32, #tpu.memory_space<hbm>>
    %dma_wait3A_170 = arith.constant 0 : i32
    %dma_wait3A_171 = tpu.memref_slice %arg6[%dma_wait3A_164, %dma_wait3A_170] : memref<4x64xi32, #tpu.memory_space<vmem>> -> memref<1x64xi32, #tpu.memory_space<vmem>>
    %dma_wait3A_172 = tpu.memref_squeeze %dma_wait3A_171 : memref<1x64xi32, #tpu.memory_space<vmem>> -> memref<64xi32, #tpu.memory_space<vmem>>
    %dma_wait3A_173 = tpu.memref_slice %arg2[%dma_wait3A_163, %mul3A_2] : memref<4x2048xi32, #tpu.memory_space<hbm>> -> memref<1x64xi32, #tpu.memory_space<hbm>>
    %dma_wait3A_174 = tpu.memref_squeeze %dma_wait3A_173 : memref<1x64xi32, #tpu.memory_space<hbm>> -> memref<64xi32, #tpu.memory_space<hbm>>
    tpu.wait_dma2 semaphore(%arg18 : memref<!tpu.dma_semaphore, #tpu.memory_space<semaphore_mem>>) src(%dma_wait3A_174 : memref<64xi32, #tpu.memory_space<hbm>>) dst(%dma_wait3A_172 : memref<64xi32, #tpu.memory_space<vmem>>)
    %dma_wait3A_175 = arith.constant 128 : i32
    %dma_wait3A_176 = arith.constant 0 : i32
    %dma_wait3A_177 = tpu.memref_slice %arg7[%dma_wait3A_175, %dma_wait3A_176] : memref<256x128xf32, #tpu.memory_space<vmem>> -> memref<64x128xf32, #tpu.memory_space<vmem>>
    %dma_wait3A_178 = arith.constant 0 : i32
    %dma_wait3A_179 = tpu.memref_slice %arg8[%mul3A_51, %dma_wait3A_178] : memref<1024x128xf32, #tpu.memory_space<vmem_shared>> -> memref<64x128xf32, #tpu.memory_space<vmem_shared>>
    %dma_wait3A_180 = arith.constant 128 : i32
    %dma_wait3A_181 = arith.constant 0 : i32
    %dma_wait3A_182 = tpu.memref_slice %arg7[%dma_wait3A_180, %dma_wait3A_181] : memref<256x128xf32, #tpu.memory_space<vmem>> -> memref<64x128xf32, #tpu.memory_space<vmem>>
    %dma_wait3A_183 = arith.constant 0 : i32
    %dma_wait3A_184 = tpu.memref_slice %arg8[%mul3A_51, %dma_wait3A_183] : memref<1024x128xf32, #tpu.memory_space<vmem_shared>> -> memref<64x128xf32, #tpu.memory_space<vmem_shared>>
    tpu.wait_dma2 semaphore(%arg15 : memref<!tpu.dma_semaphore, #tpu.memory_space<semaphore_mem>>) src(%dma_wait3A_184 : memref<64x128xf32, #tpu.memory_space<vmem_shared>>) dst(%dma_wait3A_182 : memref<64x128xf32, #tpu.memory_space<vmem>>)
    %dma_start3A_185 = arith.constant 2 : i32
    %dma_start3A_186 = arith.constant 128 : i32
    %dma_start3A_187 = arith.constant 0 : i32
    %dma_start3A_188 = tpu.memref_slice %arg7[%dma_start3A_186, %dma_start3A_187] : memref<256x128xf32, #tpu.memory_space<vmem>> -> memref<64x128xf32, #tpu.memory_space<vmem>>
    %dma_start3A_189 = arith.constant 0 : i32
    %dma_start3A_190 = tpu.memref_slice %arg6[%dma_start3A_185, %dma_start3A_189] : memref<4x64xi32, #tpu.memory_space<vmem>> -> memref<1x64xi32, #tpu.memory_space<vmem>>
    %dma_start3A_191 = tpu.memref_squeeze %dma_start3A_190 : memref<1x64xi32, #tpu.memory_space<vmem>> -> memref<64xi32, #tpu.memory_space<vmem>>
    %dma_start3A_192 = arith.constant 0 : i32
    %dma_start3A_193 = arith.constant 0 : i32
    %dma_start3A_194 = tpu.memref_slice %arg3[%dma_start3A_192, %dma_start3A_193] : memref<1000000x128xf32, #tpu.memory_space<hbm>> -> memref<1000000x128xf32, #tpu.memory_space<hbm>>
    tpu.enqueue_indirect_dma source(%dma_start3A_194 : memref<1000000x128xf32, #tpu.memory_space<hbm>>) target(%dma_start3A_188 : memref<64x128xf32, #tpu.memory_space<vmem>>) offsets(%dma_start3A_191 : memref<64xi32, #tpu.memory_space<vmem>>) semaphore(%arg11 : memref<!tpu.dma_semaphore, #tpu.memory_space<semaphore_mem>>) {add = true}
    %dma_wait3A_195 = arith.constant 3 : i32
    %dma_wait3A_196 = arith.constant 3 : i32
    %dma_wait3A_197 = arith.constant 0 : i32
    %dma_wait3A_198 = tpu.memref_slice %arg6[%dma_wait3A_196, %dma_wait3A_197] : memref<4x64xi32, #tpu.memory_space<vmem>> -> memref<1x64xi32, #tpu.memory_space<vmem>>
    %dma_wait3A_199 = tpu.memref_squeeze %dma_wait3A_198 : memref<1x64xi32, #tpu.memory_space<vmem>> -> memref<64xi32, #tpu.memory_space<vmem>>
    %dma_wait3A_200 = tpu.memref_slice %arg2[%dma_wait3A_195, %mul3A_2] : memref<4x2048xi32, #tpu.memory_space<hbm>> -> memref<1x64xi32, #tpu.memory_space<hbm>>
    %dma_wait3A_201 = tpu.memref_squeeze %dma_wait3A_200 : memref<1x64xi32, #tpu.memory_space<hbm>> -> memref<64xi32, #tpu.memory_space<hbm>>
    %dma_wait3A_202 = arith.constant 0 : i32
    %dma_wait3A_203 = tpu.memref_slice %arg6[%dma_wait3A_196, %dma_wait3A_202] : memref<4x64xi32, #tpu.memory_space<vmem>> -> memref<1x64xi32, #tpu.memory_space<vmem>>
    %dma_wait3A_204 = tpu.memref_squeeze %dma_wait3A_203 : memref<1x64xi32, #tpu.memory_space<vmem>> -> memref<64xi32, #tpu.memory_space<vmem>>
    %dma_wait3A_205 = tpu.memref_slice %arg2[%dma_wait3A_195, %mul3A_2] : memref<4x2048xi32, #tpu.memory_space<hbm>> -> memref<1x64xi32, #tpu.memory_space<hbm>>
    %dma_wait3A_206 = tpu.memref_squeeze %dma_wait3A_205 : memref<1x64xi32, #tpu.memory_space<hbm>> -> memref<64xi32, #tpu.memory_space<hbm>>
    tpu.wait_dma2 semaphore(%arg18 : memref<!tpu.dma_semaphore, #tpu.memory_space<semaphore_mem>>) src(%dma_wait3A_206 : memref<64xi32, #tpu.memory_space<hbm>>) dst(%dma_wait3A_204 : memref<64xi32, #tpu.memory_space<vmem>>)
    %dma_wait3A_207 = arith.constant 192 : i32
    %dma_wait3A_208 = arith.constant 0 : i32
    %dma_wait3A_209 = tpu.memref_slice %arg7[%dma_wait3A_207, %dma_wait3A_208] : memref<256x128xf32, #tpu.memory_space<vmem>> -> memref<64x128xf32, #tpu.memory_space<vmem>>
    %dma_wait3A_210 = arith.constant 0 : i32
    %dma_wait3A_211 = tpu.memref_slice %arg8[%mul3A_51, %dma_wait3A_210] : memref<1024x128xf32, #tpu.memory_space<vmem_shared>> -> memref<64x128xf32, #tpu.memory_space<vmem_shared>>
    %dma_wait3A_212 = arith.constant 192 : i32
    %dma_wait3A_213 = arith.constant 0 : i32
    %dma_wait3A_214 = tpu.memref_slice %arg7[%dma_wait3A_212, %dma_wait3A_213] : memref<256x128xf32, #tpu.memory_space<vmem>> -> memref<64x128xf32, #tpu.memory_space<vmem>>
    %dma_wait3A_215 = arith.constant 0 : i32
    %dma_wait3A_216 = tpu.memref_slice %arg8[%mul3A_51, %dma_wait3A_215] : memref<1024x128xf32, #tpu.memory_space<vmem_shared>> -> memref<64x128xf32, #tpu.memory_space<vmem_shared>>
    tpu.wait_dma2 semaphore(%arg16 : memref<!tpu.dma_semaphore, #tpu.memory_space<semaphore_mem>>) src(%dma_wait3A_216 : memref<64x128xf32, #tpu.memory_space<vmem_shared>>) dst(%dma_wait3A_214 : memref<64x128xf32, #tpu.memory_space<vmem>>)
    %dma_start3A_217 = arith.constant 3 : i32
    %dma_start3A_218 = arith.constant 192 : i32
    %dma_start3A_219 = arith.constant 0 : i32
    %dma_start3A_220 = tpu.memref_slice %arg7[%dma_start3A_218, %dma_start3A_219] : memref<256x128xf32, #tpu.memory_space<vmem>> -> memref<64x128xf32, #tpu.memory_space<vmem>>
    %dma_start3A_221 = arith.constant 0 : i32
    %dma_start3A_222 = tpu.memref_slice %arg6[%dma_start3A_217, %dma_start3A_221] : memref<4x64xi32, #tpu.memory_space<vmem>> -> memref<1x64xi32, #tpu.memory_space<vmem>>
    %dma_start3A_223 = tpu.memref_squeeze %dma_start3A_222 : memref<1x64xi32, #tpu.memory_space<vmem>> -> memref<64xi32, #tpu.memory_space<vmem>>
    %dma_start3A_224 = arith.constant 0 : i32
    %dma_start3A_225 = arith.constant 0 : i32
    %dma_start3A_226 = tpu.memref_slice %arg3[%dma_start3A_224, %dma_start3A_225] : memref<1000000x128xf32, #tpu.memory_space<hbm>> -> memref<1000000x128xf32, #tpu.memory_space<hbm>>
    tpu.enqueue_indirect_dma source(%dma_start3A_226 : memref<1000000x128xf32, #tpu.memory_space<hbm>>) target(%dma_start3A_220 : memref<64x128xf32, #tpu.memory_space<vmem>>) offsets(%dma_start3A_223 : memref<64xi32, #tpu.memory_space<vmem>>) semaphore(%arg12 : memref<!tpu.dma_semaphore, #tpu.memory_space<semaphore_mem>>) {add = true}
    %dma_wait3A_227 = arith.constant 0 : i32
    %dma_wait3A_228 = arith.constant 0 : i32
    %dma_wait3A_229 = arith.constant 0 : i32
    %dma_wait3A_230 = tpu.memref_slice %arg7[%dma_wait3A_228, %dma_wait3A_229] : memref<256x128xf32, #tpu.memory_space<vmem>> -> memref<64x128xf32, #tpu.memory_space<vmem>>
    %dma_wait3A_231 = arith.constant 0 : i32
    %dma_wait3A_232 = tpu.memref_slice %arg6[%dma_wait3A_227, %dma_wait3A_231] : memref<4x64xi32, #tpu.memory_space<vmem>> -> memref<1x64xi32, #tpu.memory_space<vmem>>
    %dma_wait3A_233 = tpu.memref_squeeze %dma_wait3A_232 : memref<1x64xi32, #tpu.memory_space<vmem>> -> memref<64xi32, #tpu.memory_space<vmem>>
    %dma_wait3A_234 = arith.constant 0 : i32
    %dma_wait3A_235 = arith.constant 0 : i32
    %dma_wait3A_236 = tpu.memref_slice %arg3[%dma_wait3A_234, %dma_wait3A_235] : memref<1000000x128xf32, #tpu.memory_space<hbm>> -> memref<1000000x128xf32, #tpu.memory_space<hbm>>
    tpu.wait_indirect_dma semaphore(%arg9 : memref<!tpu.dma_semaphore, #tpu.memory_space<semaphore_mem>>) src(%dma_wait3A_236 : memref<1000000x128xf32, #tpu.memory_space<hbm>>) dst(%dma_wait3A_230 : memref<64x128xf32, #tpu.memory_space<vmem>>)
    %dma_start3A_237 = arith.constant 0 : i32
    %dma_start3A_238 = arith.constant 0 : i32
    %dma_start3A_239 = arith.constant 0 : i32
    %dma_start3A_240 = tpu.memref_slice %arg7[%dma_start3A_238, %dma_start3A_239] : memref<256x128xf32, #tpu.memory_space<vmem>> -> memref<64x128xf32, #tpu.memory_space<vmem>>
    %dma_start3A_241 = arith.constant 0 : i32
    %dma_start3A_242 = tpu.memref_slice %arg5[%dma_start3A_237, %mul3A_2, %dma_start3A_241] : memref<4x2048x128xf32, #tpu.memory_space<hbm>> -> memref<1x64x128xf32, #tpu.memory_space<hbm>>
    %dma_start3A_243 = tpu.memref_squeeze %dma_start3A_242 : memref<1x64x128xf32, #tpu.memory_space<hbm>> -> memref<64x128xf32, #tpu.memory_space<hbm>>
    %dma_start3A_244 = arith.constant 0 : i32
    %dma_start3A_245 = tpu.memref_slice %arg5[%dma_start3A_237, %mul3A_2, %dma_start3A_244] : memref<4x2048x128xf32, #tpu.memory_space<hbm>> -> memref<1x64x128xf32, #tpu.memory_space<hbm>>
    %dma_start3A_246 = tpu.memref_squeeze %dma_start3A_245 : memref<1x64x128xf32, #tpu.memory_space<hbm>> -> memref<64x128xf32, #tpu.memory_space<hbm>>
    %dma_start3A_247 = arith.constant 0 : i32
    %dma_start3A_248 = arith.constant 0 : i32
    %dma_start3A_249 = tpu.memref_slice %arg7[%dma_start3A_247, %dma_start3A_248] : memref<256x128xf32, #tpu.memory_space<vmem>> -> memref<64x128xf32, #tpu.memory_space<vmem>>
    tpu.enqueue_dma source(%dma_start3A_249 : memref<64x128xf32, #tpu.memory_space<vmem>>) target(%dma_start3A_246 : memref<64x128xf32, #tpu.memory_space<hbm>>) target_semaphore(%arg17 : memref<!tpu.dma_semaphore, #tpu.memory_space<semaphore_mem>>)
    %dma_wait3A_250 = arith.constant 1 : i32
    %dma_wait3A_251 = arith.constant 64 : i32
    %dma_wait3A_252 = arith.constant 0 : i32
    %dma_wait3A_253 = tpu.memref_slice %arg7[%dma_wait3A_251, %dma_wait3A_252] : memref<256x128xf32, #tpu.memory_space<vmem>> -> memref<64x128xf32, #tpu.memory_space<vmem>>
    %dma_wait3A_254 = arith.constant 0 : i32
    %dma_wait3A_255 = tpu.memref_slice %arg6[%dma_wait3A_250, %dma_wait3A_254] : memref<4x64xi32, #tpu.memory_space<vmem>> -> memref<1x64xi32, #tpu.memory_space<vmem>>
    %dma_wait3A_256 = tpu.memref_squeeze %dma_wait3A_255 : memref<1x64xi32, #tpu.memory_space<vmem>> -> memref<64xi32, #tpu.memory_space<vmem>>
    %dma_wait3A_257 = arith.constant 0 : i32
    %dma_wait3A_258 = arith.constant 0 : i32
    %dma_wait3A_259 = tpu.memref_slice %arg3[%dma_wait3A_257, %dma_wait3A_258] : memref<1000000x128xf32, #tpu.memory_space<hbm>> -> memref<1000000x128xf32, #tpu.memory_space<hbm>>
    tpu.wait_indirect_dma semaphore(%arg10 : memref<!tpu.dma_semaphore, #tpu.memory_space<semaphore_mem>>) src(%dma_wait3A_259 : memref<1000000x128xf32, #tpu.memory_space<hbm>>) dst(%dma_wait3A_253 : memref<64x128xf32, #tpu.memory_space<vmem>>)
    %dma_start3A_260 = arith.constant 1 : i32
    %dma_start3A_261 = arith.constant 64 : i32
    %dma_start3A_262 = arith.constant 0 : i32
    %dma_start3A_263 = tpu.memref_slice %arg7[%dma_start3A_261, %dma_start3A_262] : memref<256x128xf32, #tpu.memory_space<vmem>> -> memref<64x128xf32, #tpu.memory_space<vmem>>
    %dma_start3A_264 = arith.constant 0 : i32
    %dma_start3A_265 = tpu.memref_slice %arg5[%dma_start3A_260, %mul3A_2, %dma_start3A_264] : memref<4x2048x128xf32, #tpu.memory_space<hbm>> -> memref<1x64x128xf32, #tpu.memory_space<hbm>>
    %dma_start3A_266 = tpu.memref_squeeze %dma_start3A_265 : memref<1x64x128xf32, #tpu.memory_space<hbm>> -> memref<64x128xf32, #tpu.memory_space<hbm>>
    %dma_start3A_267 = arith.constant 0 : i32
    %dma_start3A_268 = tpu.memref_slice %arg5[%dma_start3A_260, %mul3A_2, %dma_start3A_267] : memref<4x2048x128xf32, #tpu.memory_space<hbm>> -> memref<1x64x128xf32, #tpu.memory_space<hbm>>
    %dma_start3A_269 = tpu.memref_squeeze %dma_start3A_268 : memref<1x64x128xf32, #tpu.memory_space<hbm>> -> memref<64x128xf32, #tpu.memory_space<hbm>>
    %dma_start3A_270 = arith.constant 64 : i32
    %dma_start3A_271 = arith.constant 0 : i32
    %dma_start3A_272 = tpu.memref_slice %arg7[%dma_start3A_270, %dma_start3A_271] : memref<256x128xf32, #tpu.memory_space<vmem>> -> memref<64x128xf32, #tpu.memory_space<vmem>>
    tpu.enqueue_dma source(%dma_start3A_272 : memref<64x128xf32, #tpu.memory_space<vmem>>) target(%dma_start3A_269 : memref<64x128xf32, #tpu.memory_space<hbm>>) target_semaphore(%arg17 : memref<!tpu.dma_semaphore, #tpu.memory_space<semaphore_mem>>)
    %dma_wait3A_273 = arith.constant 2 : i32
    %dma_wait3A_274 = arith.constant 128 : i32
    %dma_wait3A_275 = arith.constant 0 : i32
    %dma_wait3A_276 = tpu.memref_slice %arg7[%dma_wait3A_274, %dma_wait3A_275] : memref<256x128xf32, #tpu.memory_space<vmem>> -> memref<64x128xf32, #tpu.memory_space<vmem>>
    %dma_wait3A_277 = arith.constant 0 : i32
    %dma_wait3A_278 = tpu.memref_slice %arg6[%dma_wait3A_273, %dma_wait3A_277] : memref<4x64xi32, #tpu.memory_space<vmem>> -> memref<1x64xi32, #tpu.memory_space<vmem>>
    %dma_wait3A_279 = tpu.memref_squeeze %dma_wait3A_278 : memref<1x64xi32, #tpu.memory_space<vmem>> -> memref<64xi32, #tpu.memory_space<vmem>>
    %dma_wait3A_280 = arith.constant 0 : i32
    %dma_wait3A_281 = arith.constant 0 : i32
    %dma_wait3A_282 = tpu.memref_slice %arg3[%dma_wait3A_280, %dma_wait3A_281] : memref<1000000x128xf32, #tpu.memory_space<hbm>> -> memref<1000000x128xf32, #tpu.memory_space<hbm>>
    tpu.wait_indirect_dma semaphore(%arg11 : memref<!tpu.dma_semaphore, #tpu.memory_space<semaphore_mem>>) src(%dma_wait3A_282 : memref<1000000x128xf32, #tpu.memory_space<hbm>>) dst(%dma_wait3A_276 : memref<64x128xf32, #tpu.memory_space<vmem>>)
    %dma_start3A_283 = arith.constant 2 : i32
    %dma_start3A_284 = arith.constant 128 : i32
    %dma_start3A_285 = arith.constant 0 : i32
    %dma_start3A_286 = tpu.memref_slice %arg7[%dma_start3A_284, %dma_start3A_285] : memref<256x128xf32, #tpu.memory_space<vmem>> -> memref<64x128xf32, #tpu.memory_space<vmem>>
    %dma_start3A_287 = arith.constant 0 : i32
    %dma_start3A_288 = tpu.memref_slice %arg5[%dma_start3A_283, %mul3A_2, %dma_start3A_287] : memref<4x2048x128xf32, #tpu.memory_space<hbm>> -> memref<1x64x128xf32, #tpu.memory_space<hbm>>
    %dma_start3A_289 = tpu.memref_squeeze %dma_start3A_288 : memref<1x64x128xf32, #tpu.memory_space<hbm>> -> memref<64x128xf32, #tpu.memory_space<hbm>>
    %dma_start3A_290 = arith.constant 0 : i32
    %dma_start3A_291 = tpu.memref_slice %arg5[%dma_start3A_283, %mul3A_2, %dma_start3A_290] : memref<4x2048x128xf32, #tpu.memory_space<hbm>> -> memref<1x64x128xf32, #tpu.memory_space<hbm>>
    %dma_start3A_292 = tpu.memref_squeeze %dma_start3A_291 : memref<1x64x128xf32, #tpu.memory_space<hbm>> -> memref<64x128xf32, #tpu.memory_space<hbm>>
    %dma_start3A_293 = arith.constant 128 : i32
    %dma_start3A_294 = arith.constant 0 : i32
    %dma_start3A_295 = tpu.memref_slice %arg7[%dma_start3A_293, %dma_start3A_294] : memref<256x128xf32, #tpu.memory_space<vmem>> -> memref<64x128xf32, #tpu.memory_space<vmem>>
    tpu.enqueue_dma source(%dma_start3A_295 : memref<64x128xf32, #tpu.memory_space<vmem>>) target(%dma_start3A_292 : memref<64x128xf32, #tpu.memory_space<hbm>>) target_semaphore(%arg17 : memref<!tpu.dma_semaphore, #tpu.memory_space<semaphore_mem>>)
    %dma_wait3A_296 = arith.constant 3 : i32
    %dma_wait3A_297 = arith.constant 192 : i32
    %dma_wait3A_298 = arith.constant 0 : i32
    %dma_wait3A_299 = tpu.memref_slice %arg7[%dma_wait3A_297, %dma_wait3A_298] : memref<256x128xf32, #tpu.memory_space<vmem>> -> memref<64x128xf32, #tpu.memory_space<vmem>>
    %dma_wait3A_300 = arith.constant 0 : i32
    %dma_wait3A_301 = tpu.memref_slice %arg6[%dma_wait3A_296, %dma_wait3A_300] : memref<4x64xi32, #tpu.memory_space<vmem>> -> memref<1x64xi32, #tpu.memory_space<vmem>>
    %dma_wait3A_302 = tpu.memref_squeeze %dma_wait3A_301 : memref<1x64xi32, #tpu.memory_space<vmem>> -> memref<64xi32, #tpu.memory_space<vmem>>
    %dma_wait3A_303 = arith.constant 0 : i32
    %dma_wait3A_304 = arith.constant 0 : i32
    %dma_wait3A_305 = tpu.memref_slice %arg3[%dma_wait3A_303, %dma_wait3A_304] : memref<1000000x128xf32, #tpu.memory_space<hbm>> -> memref<1000000x128xf32, #tpu.memory_space<hbm>>
    tpu.wait_indirect_dma semaphore(%arg12 : memref<!tpu.dma_semaphore, #tpu.memory_space<semaphore_mem>>) src(%dma_wait3A_305 : memref<1000000x128xf32, #tpu.memory_space<hbm>>) dst(%dma_wait3A_299 : memref<64x128xf32, #tpu.memory_space<vmem>>)
    %dma_start3A_306 = arith.constant 3 : i32
    %dma_start3A_307 = arith.constant 192 : i32
    %dma_start3A_308 = arith.constant 0 : i32
    %dma_start3A_309 = tpu.memref_slice %arg7[%dma_start3A_307, %dma_start3A_308] : memref<256x128xf32, #tpu.memory_space<vmem>> -> memref<64x128xf32, #tpu.memory_space<vmem>>
    %dma_start3A_310 = arith.constant 0 : i32
    %dma_start3A_311 = tpu.memref_slice %arg5[%dma_start3A_306, %mul3A_2, %dma_start3A_310] : memref<4x2048x128xf32, #tpu.memory_space<hbm>> -> memref<1x64x128xf32, #tpu.memory_space<hbm>>
    %dma_start3A_312 = tpu.memref_squeeze %dma_start3A_311 : memref<1x64x128xf32, #tpu.memory_space<hbm>> -> memref<64x128xf32, #tpu.memory_space<hbm>>
    %dma_start3A_313 = arith.constant 0 : i32
    %dma_start3A_314 = tpu.memref_slice %arg5[%dma_start3A_306, %mul3A_2, %dma_start3A_313] : memref<4x2048x128xf32, #tpu.memory_space<hbm>> -> memref<1x64x128xf32, #tpu.memory_space<hbm>>
    %dma_start3A_315 = tpu.memref_squeeze %dma_start3A_314 : memref<1x64x128xf32, #tpu.memory_space<hbm>> -> memref<64x128xf32, #tpu.memory_space<hbm>>
    %dma_start3A_316 = arith.constant 192 : i32
    %dma_start3A_317 = arith.constant 0 : i32
    %dma_start3A_318 = tpu.memref_slice %arg7[%dma_start3A_316, %dma_start3A_317] : memref<256x128xf32, #tpu.memory_space<vmem>> -> memref<64x128xf32, #tpu.memory_space<vmem>>
    tpu.enqueue_dma source(%dma_start3A_318 : memref<64x128xf32, #tpu.memory_space<vmem>>) target(%dma_start3A_315 : memref<64x128xf32, #tpu.memory_space<hbm>>) target_semaphore(%arg17 : memref<!tpu.dma_semaphore, #tpu.memory_space<semaphore_mem>>)
    %dma_wait3A_319 = arith.constant 0 : i32
    %dma_wait3A_320 = arith.constant 0 : i32
    %dma_wait3A_321 = arith.constant 0 : i32
    %dma_wait3A_322 = tpu.memref_slice %arg7[%dma_wait3A_320, %dma_wait3A_321] : memref<256x128xf32, #tpu.memory_space<vmem>> -> memref<64x128xf32, #tpu.memory_space<vmem>>
    %dma_wait3A_323 = arith.constant 0 : i32
    %dma_wait3A_324 = tpu.memref_slice %arg5[%dma_wait3A_319, %mul3A_2, %dma_wait3A_323] : memref<4x2048x128xf32, #tpu.memory_space<hbm>> -> memref<1x64x128xf32, #tpu.memory_space<hbm>>
    %dma_wait3A_325 = tpu.memref_squeeze %dma_wait3A_324 : memref<1x64x128xf32, #tpu.memory_space<hbm>> -> memref<64x128xf32, #tpu.memory_space<hbm>>
    %dma_wait3A_326 = arith.constant 0 : i32
    %dma_wait3A_327 = tpu.memref_slice %arg5[%dma_wait3A_319, %mul3A_2, %dma_wait3A_326] : memref<4x2048x128xf32, #tpu.memory_space<hbm>> -> memref<1x64x128xf32, #tpu.memory_space<hbm>>
    %dma_wait3A_328 = tpu.memref_squeeze %dma_wait3A_327 : memref<1x64x128xf32, #tpu.memory_space<hbm>> -> memref<64x128xf32, #tpu.memory_space<hbm>>
    %dma_wait3A_329 = arith.constant 0 : i32
    %dma_wait3A_330 = arith.constant 0 : i32
    %dma_wait3A_331 = tpu.memref_slice %arg7[%dma_wait3A_329, %dma_wait3A_330] : memref<256x128xf32, #tpu.memory_space<vmem>> -> memref<64x128xf32, #tpu.memory_space<vmem>>
    tpu.wait_dma2 semaphore(%arg17 : memref<!tpu.dma_semaphore, #tpu.memory_space<semaphore_mem>>) src(%dma_wait3A_331 : memref<64x128xf32, #tpu.memory_space<vmem>>) dst(%dma_wait3A_328 : memref<64x128xf32, #tpu.memory_space<hbm>>)
    %dma_wait3A_332 = arith.constant 1 : i32
    %dma_wait3A_333 = arith.constant 64 : i32
    %dma_wait3A_334 = arith.constant 0 : i32
    %dma_wait3A_335 = tpu.memref_slice %arg7[%dma_wait3A_333, %dma_wait3A_334] : memref<256x128xf32, #tpu.memory_space<vmem>> -> memref<64x128xf32, #tpu.memory_space<vmem>>
    %dma_wait3A_336 = arith.constant 0 : i32
    %dma_wait3A_337 = tpu.memref_slice %arg5[%dma_wait3A_332, %mul3A_2, %dma_wait3A_336] : memref<4x2048x128xf32, #tpu.memory_space<hbm>> -> memref<1x64x128xf32, #tpu.memory_space<hbm>>
    %dma_wait3A_338 = tpu.memref_squeeze %dma_wait3A_337 : memref<1x64x128xf32, #tpu.memory_space<hbm>> -> memref<64x128xf32, #tpu.memory_space<hbm>>
    %dma_wait3A_339 = arith.constant 0 : i32
    %dma_wait3A_340 = tpu.memref_slice %arg5[%dma_wait3A_332, %mul3A_2, %dma_wait3A_339] : memref<4x2048x128xf32, #tpu.memory_space<hbm>> -> memref<1x64x128xf32, #tpu.memory_space<hbm>>
    %dma_wait3A_341 = tpu.memref_squeeze %dma_wait3A_340 : memref<1x64x128xf32, #tpu.memory_space<hbm>> -> memref<64x128xf32, #tpu.memory_space<hbm>>
    %dma_wait3A_342 = arith.constant 64 : i32
    %dma_wait3A_343 = arith.constant 0 : i32
    %dma_wait3A_344 = tpu.memref_slice %arg7[%dma_wait3A_342, %dma_wait3A_343] : memref<256x128xf32, #tpu.memory_space<vmem>> -> memref<64x128xf32, #tpu.memory_space<vmem>>
    tpu.wait_dma2 semaphore(%arg17 : memref<!tpu.dma_semaphore, #tpu.memory_space<semaphore_mem>>) src(%dma_wait3A_344 : memref<64x128xf32, #tpu.memory_space<vmem>>) dst(%dma_wait3A_341 : memref<64x128xf32, #tpu.memory_space<hbm>>)
    %dma_wait3A_345 = arith.constant 2 : i32
    %dma_wait3A_346 = arith.constant 128 : i32
    %dma_wait3A_347 = arith.constant 0 : i32
    %dma_wait3A_348 = tpu.memref_slice %arg7[%dma_wait3A_346, %dma_wait3A_347] : memref<256x128xf32, #tpu.memory_space<vmem>> -> memref<64x128xf32, #tpu.memory_space<vmem>>
    %dma_wait3A_349 = arith.constant 0 : i32
    %dma_wait3A_350 = tpu.memref_slice %arg5[%dma_wait3A_345, %mul3A_2, %dma_wait3A_349] : memref<4x2048x128xf32, #tpu.memory_space<hbm>> -> memref<1x64x128xf32, #tpu.memory_space<hbm>>
    %dma_wait3A_351 = tpu.memref_squeeze %dma_wait3A_350 : memref<1x64x128xf32, #tpu.memory_space<hbm>> -> memref<64x128xf32, #tpu.memory_space<hbm>>
    %dma_wait3A_352 = arith.constant 0 : i32
    %dma_wait3A_353 = tpu.memref_slice %arg5[%dma_wait3A_345, %mul3A_2, %dma_wait3A_352] : memref<4x2048x128xf32, #tpu.memory_space<hbm>> -> memref<1x64x128xf32, #tpu.memory_space<hbm>>
    %dma_wait3A_354 = tpu.memref_squeeze %dma_wait3A_353 : memref<1x64x128xf32, #tpu.memory_space<hbm>> -> memref<64x128xf32, #tpu.memory_space<hbm>>
    %dma_wait3A_355 = arith.constant 128 : i32
    %dma_wait3A_356 = arith.constant 0 : i32
    %dma_wait3A_357 = tpu.memref_slice %arg7[%dma_wait3A_355, %dma_wait3A_356] : memref<256x128xf32, #tpu.memory_space<vmem>> -> memref<64x128xf32, #tpu.memory_space<vmem>>
    tpu.wait_dma2 semaphore(%arg17 : memref<!tpu.dma_semaphore, #tpu.memory_space<semaphore_mem>>) src(%dma_wait3A_357 : memref<64x128xf32, #tpu.memory_space<vmem>>) dst(%dma_wait3A_354 : memref<64x128xf32, #tpu.memory_space<hbm>>)
    %dma_wait3A_358 = arith.constant 3 : i32
    %dma_wait3A_359 = arith.constant 192 : i32
    %dma_wait3A_360 = arith.constant 0 : i32
    %dma_wait3A_361 = tpu.memref_slice %arg7[%dma_wait3A_359, %dma_wait3A_360] : memref<256x128xf32, #tpu.memory_space<vmem>> -> memref<64x128xf32, #tpu.memory_space<vmem>>
    %dma_wait3A_362 = arith.constant 0 : i32
    %dma_wait3A_363 = tpu.memref_slice %arg5[%dma_wait3A_358, %mul3A_2, %dma_wait3A_362] : memref<4x2048x128xf32, #tpu.memory_space<hbm>> -> memref<1x64x128xf32, #tpu.memory_space<hbm>>
    %dma_wait3A_364 = tpu.memref_squeeze %dma_wait3A_363 : memref<1x64x128xf32, #tpu.memory_space<hbm>> -> memref<64x128xf32, #tpu.memory_space<hbm>>
    %dma_wait3A_365 = arith.constant 0 : i32
    %dma_wait3A_366 = tpu.memref_slice %arg5[%dma_wait3A_358, %mul3A_2, %dma_wait3A_365] : memref<4x2048x128xf32, #tpu.memory_space<hbm>> -> memref<1x64x128xf32, #tpu.memory_space<hbm>>
    %dma_wait3A_367 = tpu.memref_squeeze %dma_wait3A_366 : memref<1x64x128xf32, #tpu.memory_space<hbm>> -> memref<64x128xf32, #tpu.memory_space<hbm>>
    %dma_wait3A_368 = arith.constant 192 : i32
    %dma_wait3A_369 = arith.constant 0 : i32
    %dma_wait3A_370 = tpu.memref_slice %arg7[%dma_wait3A_368, %dma_wait3A_369] : memref<256x128xf32, #tpu.memory_space<vmem>> -> memref<64x128xf32, #tpu.memory_space<vmem>>
    tpu.wait_dma2 semaphore(%arg17 : memref<!tpu.dma_semaphore, #tpu.memory_space<semaphore_mem>>) src(%dma_wait3A_370 : memref<64x128xf32, #tpu.memory_space<vmem>>) dst(%dma_wait3A_367 : memref<64x128xf32, #tpu.memory_space<hbm>>)
    return
  }
}

</mosaic_0001>

<sc_bundles>
// kernel: _combined_lookup.3.cloned.1.call-start
scs
__scs_entry_jumppad:
0x0: {  	(pc) =	sbr.rel $0x88, $3  }
0x1: {  	(tag) =	ssettag $0x0;
	lr =	simm.s32 $0x1  }
0x2: {  	[smem:$0x3F9E] =	sst lr;
	_ =	strace $0xD0000000  }
0x3: {  	_ = 	snop  }
0x4: {  	_ = 	snop  }
0x5: {  	_ = 	snop  }
0x6: {  	_ = 	snop  }
0x7: {  	_ = 	snop  }
__scs_overlays_trampoline_lowered:
0x8: {  	[smem:$0x3FAD] =	sst s0  }
0x9: {  	[smem:$0x3FAE] =	sst s1  }
0xa: {  	[smem:$0x3FAF] =	sst s2  }
0xb: {  	[smem:$0x3FB0] =	sst s3  }
0xc: {  	[smem:$0x3FB1] =	sst s4  }
0xd: {  	[smem:$0x3FB2] =	sst s5  }
0xe: {  	[smem:$0x3FB3] =	sst s6  }
0xf: {  	[smem:$0x3FB4] =	sst s7  }
0x10: {  	[smem:$0x3FB5] =	sst s8  }
0x11: {  	[smem:$0x3FB6] =	sst s9;
	s0 =	simm.s32 @!p0 $0x0  }
0x12: {  	s1 =	sld [smem:$0x3F9C];
	s0 =	simm.s32 @p0 $0x1  }
0x13: {  	[smem:$0x3FB7] =	sst s0;
	s0 =	simm.s32 @!p1 $0x0  }
0x14: {  	s2 =	sld [smem:$0x3F9B];
	s0 =	simm.s32 @p1 $0x1  }
0x15: {  	[smem:$0x3FB8] =	sst s0;
	s0 =	simm.s32 @!p2 $0x0  }
0x16: {  	s3 =	sld [smem:$0x3FDB];
	s0 =	simm.s32 @p2 $0x1  }
0x17: {  	s4 =	simm.s32 $0x1BF5;
	[smem:$0x3FBA] =	sst s0  }
0x18: {  	s0 =	sld [smem:$0x3F9D];
	_ =	swait.ge [sflag:s4], $0x0  }
0x19: {  	s7 =	sld [smem:$0x3F9E]  }
0x1a: {  	s8 =	sadd.s32 $0xFFFFE003, lr  }
0x1b: {  	s9 =	sadd.s32 $0xFFFFFEF7, lr;
	s5 =	simm.s32 $0xFFFFFFFF;
	p2 =	slt.u32 s8, $0xFFFFF086  }
0x1c: {  	p1 =	slt.u32 s9, $0xF7A;
	s5 =	simm.s32 @!p2 $0x0  }
0x1d: {  	s5 =	simm.s32 @p1 $0x1;
	p0 =	seq.s32 s7, s2  }
0x1e: {  	s7 =	smul.u32 @!p0 $0xF7A, s2;
	p2 =	seq.s32 @!p0 s5, $0x0  }
0x1f: {  	s9 =	smul.u32 $0xF7A, s1;
	s8 =	simm.s32 @!p0 $0x1BF5;
	p2 =	por !p2, p0  }
0x20: {  	[sflag:s8] =	ssyncset.s32 @!p0 $0xFFFFF086;
	s6 =	sadd.s32 @!p0 s3, s7;
	s7 =	simm.s32 @!p0 $0x108  }
0x21: {  	s3 =	sadd.s32 s3, s9;
	s6 =	sadd.s32 @!p0 $0x88, s6;
	s7 =	simm.s32 @p2 $0x1082  }
0x22: {  	[simem:s7], [sflag:s8] =	dma.local @!p0 [hbm:s6], $0xF7A  }
0x23: {  	s9 =	sor.u32 $0xD0000000, s2;
	s6 =	simm.s32 $0x108;
	_ =	swait.ge @!p0 [sflag:s8], $0x0  }
0x24: {  	s3 =	sadd.s32 $0x88, s3;
	s6 =	simm.s32 @!p1 $0x1082;
	[sflag:s4] =	ssyncset.s32 $0xFFFFF086  }
0x25: {  	[simem:s6], [sflag:s4] =	dma.local [hbm:s3], $0xF7A  }
0x26: {  	[smem:$0x3F9E] =	sst s1;
	(tag) =	ssettag s2;
	_ =	strace s9  }
0x27: {  	s1 =	sld [smem:$0x3FAE]  }
0x28: {  	s2 =	sld [smem:$0x3FAF]  }
0x29: {  	s4 =	sld [smem:$0x3FB1]  }
0x2a: {  	p0 =	seq.s32 s5, $0x0;
	s5 =	sld [smem:$0x3FB2]  }
0x2b: {  	s6 =	sld [smem:$0x3FB3]  }
0x2c: {  	s7 =	sld [smem:$0x3FB4]  }
0x2d: {  	s3 =	simm.s32 $0x108;
	s8 =	sld [smem:$0x3FB5]  }
0x2e: {  	s3 =	simm.s32 @!p0 $0x1082;
	s9 =	sld [smem:$0x3FB6]  }
0x2f: {  	lr =	sadd.s32 s0, s3;
	s0 =	sld [smem:$0x3FAD]  }
0x30: {  	s3 =	sld [smem:$0x3FB0]  }
0x31: {  	[smem:$0x3FB9] =	sst s10  }
0x32: {  	s10 =	sld [smem:$0x3FB7];
	_ =	sdelay $0x3  }
0x33: {  	p0 =	seq.s32 s10, $0x1;
	s10 =	sld [smem:$0x3FB9];
	_ =	sdelay $0x3  }
0x34: {  	[smem:$0x3FB9] =	sst s10  }
0x35: {  	s10 =	sld [smem:$0x3FB8];
	_ =	sdelay $0x3  }
0x36: {  	p1 =	seq.s32 s10, $0x1;
	s10 =	sld [smem:$0x3FB9];
	_ =	sdelay $0x3  }
0x37: {  	[smem:$0x3FB9] =	sst s10  }
0x38: {  	s10 =	sld [smem:$0x3FBA]  }
0x39: {  	_ = 	snop;
	(pc) =	sbr.ind lr, $3  }
0x3a: {  	_ = 	snop  }
0x3b: {  	_ = 	snop  }
0x3c: {  	p2 =	seq.s32 s10, $0x1;
	s10 =	sld [smem:$0x3FB9]  }
0x3d: {  	_ =	shalt  }
0x3e: {  	_ =	shalt  }
0x3f: {  	_ =	shalt  }
0x40: {  	_ =	shalt  }
0x41: {  	_ =	shalt  }
0x42: {  	_ =	shalt  }
0x43: {  	_ =	shalt  }
0x44: {  	_ =	shalt  }
0x45: {  	_ =	shalt  }
0x46: {  	_ =	shalt  }
0x47: {  	_ =	shalt  }
0x48: {  	_ =	shalt  }
0x49: {  	_ =	shalt  }
0x4a: {  	_ =	shalt  }
0x4b: {  	_ =	shalt  }
0x4c: {  	_ =	shalt  }
0x4d: {  	_ =	shalt  }
0x4e: {  	_ =	shalt  }
0x4f: {  	_ =	shalt  }
0x50: {  	_ =	shalt  }
0x51: {  	_ =	shalt  }
0x52: {  	_ =	shalt  }
0x53: {  	_ =	shalt  }
0x54: {  	_ =	shalt  }
0x55: {  	_ =	shalt  }
0x56: {  	_ =	shalt  }
0x57: {  	_ =	shalt  }
0x58: {  	_ =	shalt  }
0x59: {  	_ =	shalt  }
0x5a: {  	_ =	shalt  }
0x5b: {  	_ =	shalt  }
0x5c: {  	_ =	shalt  }
0x5d: {  	_ =	shalt  }
0x5e: {  	_ =	shalt  }
0x5f: {  	_ =	shalt  }
0x60: {  	_ =	shalt  }
0x61: {  	_ =	shalt  }
0x62: {  	_ =	shalt  }
0x63: {  	_ =	shalt  }
0x64: {  	_ =	shalt  }
0x65: {  	_ =	shalt  }
0x66: {  	_ =	shalt  }
0x67: {  	_ =	shalt  }
0x68: {  	_ =	shalt  }
0x69: {  	_ =	shalt  }
0x6a: {  	_ =	shalt  }
0x6b: {  	_ =	shalt  }
0x6c: {  	_ =	shalt  }
0x6d: {  	_ =	shalt  }
0x6e: {  	_ =	shalt  }
0x6f: {  	_ =	shalt  }
0x70: {  	_ =	shalt  }
0x71: {  	_ =	shalt  }
0x72: {  	_ =	shalt  }
0x73: {  	_ =	shalt  }
0x74: {  	_ =	shalt  }
0x75: {  	_ =	shalt  }
0x76: {  	_ =	shalt  }
0x77: {  	_ =	shalt  }
0x78: {  	_ =	shalt  }
0x79: {  	_ =	shalt  }
0x7a: {  	_ =	shalt  }
0x7b: {  	_ =	shalt  }
0x7c: {  	_ =	shalt  }
0x7d: {  	_ =	shalt  }
0x7e: {  	_ =	shalt  }
0x7f: {  	_ =	shalt  }
0x80: {  	_ =	shalt  }
0x81: {  	_ =	shalt  }
0x82: {  	_ =	shalt  }
0x83: {  	_ =	shalt  }
0x84: {  	_ =	shalt  }
0x85: {  	_ =	shalt  }
0x86: {  	_ =	shalt  }
0x87: {  	_ =	shalt  }
.Lfunc_end0:
.L_simem_size_0:
called_computation_lowered:
.L_overlay_start_0:
0x88: {  	s2 =	sld [smem:$0x3FD9]  }
0x89: {  	s3 =	sld [smem:$0x3FFE];
	_ =	sdelay $0x1  }
0x8a: {  	s1 =	srdreg.scid  }
0x8b: {  	s0 =	sand.u32 $0x1, s1  }
0x8c: {  	s18 =	sshll.u32 s0, $0xA;
	s2 =	sadd.s32 s3, s2  }
0x8d: {  	s2 =	sadd.s32 s2, s18  }
0x8e: {  	[smem:$0x3FC5] =	sst s2  }
0x8f: {  	_ = 	snop  }
0x90: {  	s2 =	sld [smem:$0x3FC9]  }
0x91: {  	s19 =	sld [smem:$0x3FC8]  }
0x92: {  	s4 =	sld [smem:$0x3FC7]  }
0x93: {  	s5 =	sld [smem:$0x3FD0];
	(tm) =	ssettm $0x1  }
0x94: {  	s6 =	sld [smem:$0x3FFB];
	_ =	sdelay $0x3  }
0x95: {  	_ =	strace s6  }
0x96: {  	s6 =	sld [smem:$0x3FFC];
	_ =	sdelay $0x3  }
0x97: {  	_ =	strace s6  }
0x98: {  	s6 =	sld [smem:$0x3FFD];
	_ =	sdelay $0x3  }
0x99: {  	_ =	strace s6  }
0x9a: {  	_ =	strace $0x8FFFFFFF  }
0x9b: {  	s20 =	sld [smem:$0x3FDB];
	_ =	sdelay $0x1  }
0x9c: {  	s7 =	simm.s32 $_scs_section_size  }
0x9d: {  	s8 =	simm.s32 $_size__tile_overlayer_lowered;
	s9 =	simm.s32 $_tile_overlayer_lowered  }
0x9e: {  	s23 =	simm.s32 $0x1BFF;
	s22 =	sshll.u32 s9, $0x1;
	s6 =	sadd.s32 s7, s20  }
0x9f: {  	s10 =	simm.s32 $0x0;
	s21 =	sshll.u32 s8, $0x1;
	s8 =	sadd.s32 s22, s6  }
0xa0: {  	[timem:s10], [sflag:s23] =	dma.local [hbm:s8], s21  }
0xa1: {  	_ =	swait.ge [sflag:s23], s21  }
0xa2: {  	s7 =	ssub.s32 $0x0, s21;
	[sflag:s23] =	ssyncset.done $0x0  }
0xa3: {  	[sflag:s23] =	ssyncadd.s32 s7;
	_ =	sdelay $0x1  }
0xa4: {  	s24 =	simm.s32 $0x1B8B  }
0xa5: {  	_ =	swait.ge [sflag:s24], $0x1  }
0xa6: {  	[sflag:s24] =	ssyncset.done $0x0  }
0xa7: {  	s25 =	simm.s32 $0x1B8E;
	[sflag:s24] =	ssyncadd.s32 $0xFFFFFFFF  }
0xa8: {  	s26 =	simm.s32 $execute0_lowered;
	[smem:$0x3FD2] =	sst s25  }
0xa9: {  	s7 =	sshll.u32 s26, $0x1;
	_ =	strace $0x80000046;
	[dreg:$0x1] =	wrdreg $0xFFFFFFFF  }
0xaa: {  	s28 =	simm.s32 $_size_execute0_lowered;
	s6 =	sadd.s32 s6, s7;
	[dreg:$0x0] =	wrdreg $0x0  }
0xab: {  	s7 =	sshll.u32 s28, $0x1;
	[dreg:$0x2] =	wrdreg s6  }
0xac: {  	[dreg:$0x3] =	wrdreg s7  }
0xad: {  	[dreg:$0x4] =	wrdreg $0xC0  }
0xae: {  	_ =	task [dreg:s10], $0x5FFFF  }
0xaf: {  	[dreg:$0x1] =	wrdreg $0xFFFFFFFF  }
0xb0: {  	[dreg:$0x0] =	wrdreg $0x60  }
0xb1: {  	[dreg:$0x2] =	wrdreg s2  }
0xb2: {  	[dreg:$0x3] =	wrdreg s19  }
0xb3: {  	[dreg:$0x4] =	wrdreg s4  }
0xb4: {  	[dreg:$0x5] =	wrdreg s5  }
0xb5: {  	[dreg:$0x6] =	wrdreg $0x82000  }
0xb6: {  	[dreg:$0x7] =	wrdreg $0x9  }
0xb7: {  	_ =	task.clear_ibuf [dreg:s10], $0x8FFFF;
	_ =	strace $0x90000046  }
0xb8: {  	s29 =	simm.s32 $0x9;
	_ =	strace $0x80000048  }
0xb9: {  	_ =	swait.ge [sflag:s29], $0x1  }
0xba: {  	[sflag:s29] =	ssyncadd.s32 $0xFFFFFFFF  }
0xbb: {  	_ =	strace $0x90000048  }
0xbc: {  	_ =	sfence  }
0xbd: {  	s30 =	sld [smem:$0x0];
	_ =	sdelay $0x2  }
0xbe: {  	s31 =	sshll.u32 s1, $0xD;
	s1 =	sshrl.u32 s1, $0x2  }
0xbf: {  	s3 =	sand.u32 $0x4000, s31;
	s1 =	sadd.s32 s1, s30  }
0xc0: {  	s0 =	sor.u32 s3, s0;
	s1 =	sshll.u32 s1, $0x11  }
0xc1: {  	s0 =	sor.u32 s1, s0  }
0xc2: {  	s0 =	sadd.s32 $0x8F2B, s0  }
0xc3: {  	[sflag:s0] =	ssyncadd.remote.s32 $0x1  }
0xc4: {  	_ =	sfence.sel $0xFFFF  }
0xc5: {  	[dreg:$0x0] =	wrdreg $0xFFFFFFFF;
	(pc) =	sbr.abs _section_cstart, $3  }
0xc6: {  	[dreg:$0x1] =	wrdreg $0xFFFFFFFF  }
0xc7: {  	_ =	task.clear_ibuf [dreg:s10], $0x2FFFF;
	_ =	strace $0x9FFFFFFF  }
0xc8: {  	(tm) =	ssettm $0x7FFFFFFF  }
0xc9: {  	_ =	shalt  }
tec
execute0_lowered:
.L_overlay_start_1:
0x0: {  	(tag) =	ssettag $0x1  }
0x1: {  	s5 =	rddreg [dreg:$0x0]  }
0x2: {  	s1 =	srdreg.scid;
	s12 =	rddreg [dreg:$0x2]  }
0x3: {  	s0 =	stileid.u32;
	s23 =	rddreg [dreg:$0x3];
	s2 =	sand.u32 $0x1, s1  }
0x4: {  	s9 =	rddreg [dreg:$0x4];
	s3 =	sshll.u32 s0, $0x7;
	s4 =	sshll.u32 s2, $0x6  }
0x5: {  	s1 =	rddreg [dreg:$0x1];
	s19 =	sshll.u32 s0, $0x6;
	s7 =	sor.u32 s4, s3  }
0x6: {  	s20 =	sor.u32 $0x1C0B, s19;
	s3 =	simm.s32 $0x0;
	s8 =	sshll.u32 s7, $0x2  }
0x7: {  	[smem:$0x7FF] =	sst s3;
	s16 =	sand.u32 $0x1E00, s8;
	s8 =	sor.u32 s4, s8  }
0x8: {  	_ =	strace $0x80000047;
	[dreg:$0x9] =	wrdreg s20;
	s8 =	sshrl.u32 s8, $0x3  }
0x9: {  	s10 =	sor.u32 s4, s16;
	s13 =	rddreg [dreg:$0x9];
	s11 =	sor.u32 $0x20, s8  }
0xa: {  	s10 =	sshrl.u32 s10, $0x3;
	s8 =	sor.u32 $0x30, s8;
	s18 =	sadd.s32 s5, s11  }
0xb: {  	s17 =	sadd.s32 s5, s10;
	s5 =	sadd.s32 s5, s8;
	[dreg:$0x7] =	wrdreg s18  }
0xc: {  	[dreg:$0x8] =	wrdreg s5  }
0xd: {  	s10 =	sadd.s32 $0x10, s17;
	[dreg:$0xa] =	wrdreg s17  }
0xe: {  	[tilespmem:s3], [sflag:$0xA] =	stream.linear.gather [hbm4b:s17+s3], $0x40, $0x38;
	[tilespmem:$0xA200] =	vst v63  }
0xf: {  	s22 =	simm.s32 $0x80;
	[dreg:$0x6] =	wrdreg s10  }
0x10: {  	s26 =	sshll.u32 s0, $0xD;
	s24 =	sshll.u32 s7, $0x4;
	s21 =	rddreg [dreg:$0x6]  }
0x11: {  	[tilespmem:s22], [sflag:$0xA] =	stream.linear.gather [hbm4b:s21+s3], $0x40, $0x38;
	[tilespmem:$0xA200] =	vst v63  }
0x12: {  	s7 =	simm.s32 $0x100;
	s8 =	sadd.s32 s26, s9;
	s25 =	rddreg [dreg:$0x7]  }
0x13: {  	[tilespmem:s7], [sflag:$0xA] =	stream.linear.gather [hbm4b:s25+s3], $0x40, $0x38;
	[tilespmem:$0xA200] =	vst v63  }
0x14: {  	s9 =	simm.s32 $0x180;
	s5 =	sadd.s32 s12, s24;
	s0 =	rddreg [dreg:$0x8]  }
0x15: {  	[tilespmem:s9], [sflag:$0xA] =	stream.linear.gather [hbm4b:s0+s3], $0x40, $0x38;
	[tilespmem:$0xA200] =	vst v63  }
0x16: {  	s11 =	sshrl.u32 s8, $0x3;
	s12 =	simm.s32 $0xB;
	s10 =	simm.s32 $0x200  }
0x17: {  	[tilespmem:s10], [sflag:$0x5] =	stream.linear.gather [hbm4b:s5+s3], $0x2000, $0x38;
	[tilespmem:$0xA200] =	vst v63  }
0x18: {  	[spmem:s11], [sflag:s13] =	dma.local [hbm:s5], $0x400  }
0x19: {  	_ =	swait.ge [sflag:s12], $0x400  }
0x1a: {  	[sflag:s12] =	ssyncset.done $0x0  }
0x1b: {  	s13 =	simm.s32 $0x2200;
	[sflag:s12] =	ssyncadd.s32 $0xFFFFFC00  }
0x1c: {  	[tilespmem:s13], [sflag:$0x6] =	stream.linear.gather [spmem:s8], $0x2000, $0x38;
	[tilespmem:$0xA200] =	vst v63  }
0x1d: {  	s14 =	simm.s32 $0x4200  }
0x1e: {  	[tilespmem:s14], [sflag:$0x7] =	stream.linear.gather [spmem:s8], $0x2000, $0x38;
	[tilespmem:$0xA200] =	vst v63  }
0x1f: {  	s15 =	simm.s32 $0x6200;
	s16 =	simm.s32 $0xA  }
0x20: {  	[tilespmem:s15], [sflag:$0x8] =	stream.linear.gather [spmem:s8], $0x2000, $0x38;
	[tilespmem:$0xA200] =	vst v63  }
0x21: {  	_ =	swait.ge [sflag:s16], $0x40  }
0x22: {  	[sflag:s16] =	ssyncset.done $0x0  }
0x23: {  	s17 =	simm.s32 $0x5;
	[sflag:s16] =	ssyncadd.s32 $0xFFFFFFC0  }
0x24: {  	_ =	swait.ge [sflag:s17], $0x2000  }
0x25: {  	[sflag:s17] =	ssyncset.done $0x0  }
0x26: {  	s18 =	simm.s32 $0x40;
	[sflag:s17] =	ssyncadd.s32 $0xFFFFE000  }
0x27: {  	[tilespmem:s10], [sflag:$0x1] =	stream.indirect.gather.add.f32 [hbm:s1], $0x80, s3, s18, $0xb8;
	[tilespmem:$0xA200] =	vst v63  }
0x28: {  	_ =	swait.ge [sflag:s16], $0x40  }
0x29: {  	[sflag:s16] =	ssyncset.done $0x0  }
0x2a: {  	s19 =	simm.s32 $0x6;
	[sflag:s16] =	ssyncadd.s32 $0xFFFFFFC0  }
0x2b: {  	_ =	swait.ge [sflag:s19], $0x2000  }
0x2c: {  	[sflag:s19] =	ssyncset.done $0x0  }
0x2d: {  	[sflag:s19] =	ssyncadd.s32 $0xFFFFE000  }
0x2e: {  	[tilespmem:s13], [sflag:$0x2] =	stream.indirect.gather.add.f32 [hbm:s1], $0x80, s22, s18, $0xb8;
	[tilespmem:$0xA200] =	vst v63  }
0x2f: {  	_ =	swait.ge [sflag:s16], $0x40  }
0x30: {  	[sflag:s16] =	ssyncset.done $0x0  }
0x31: {  	s20 =	simm.s32 $0x7;
	[sflag:s16] =	ssyncadd.s32 $0xFFFFFFC0  }
0x32: {  	_ =	swait.ge [sflag:s20], $0x2000  }
0x33: {  	[sflag:s20] =	ssyncset.done $0x0  }
0x34: {  	[sflag:s20] =	ssyncadd.s32 $0xFFFFE000  }
0x35: {  	[tilespmem:s14], [sflag:$0x3] =	stream.indirect.gather.add.f32 [hbm:s1], $0x80, s7, s18, $0xb8;
	[tilespmem:$0xA200] =	vst v63  }
0x36: {  	_ =	swait.ge [sflag:s16], $0x40  }
0x37: {  	[sflag:s16] =	ssyncset.done $0x0  }
0x38: {  	s21 =	simm.s32 $0x8;
	[sflag:s16] =	ssyncadd.s32 $0xFFFFFFC0  }
0x39: {  	_ =	swait.ge [sflag:s21], $0x2000  }
0x3a: {  	[sflag:s21] =	ssyncset.done $0x0  }
0x3b: {  	s22 =	simm.s32 $0x1;
	[sflag:s21] =	ssyncadd.s32 $0xFFFFE000  }
0x3c: {  	[tilespmem:s15], [sflag:$0x4] =	stream.indirect.gather.add.f32 [hbm:s1], $0x80, s9, s18, $0xb8;
	[tilespmem:$0xA200] =	vst v63  }
0x3d: {  	_ =	swait.ge [sflag:s22], $0x2000  }
0x3e: {  	[sflag:s22] =	ssyncset.done $0x0  }
0x3f: {  	s23 =	sadd.s32 s23, s24;
	s24 =	simm.s32 $0x2;
	[sflag:s22] =	ssyncadd.s32 $0xFFFFE000  }
0x40: {  	[hbm4b:s23+s3] =	stream.linear.scatter [tilespmem:s10], [sflag:$0x9], $0x2000, $0x38;
	[tilespmem:$0xA200] =	vst v63  }
0x41: {  	_ =	swait.ge [sflag:s24], $0x2000  }
0x42: {  	[sflag:s24] =	ssyncset.done $0x0  }
0x43: {  	s26 =	simm.s32 $0x3;
	s25 =	sadd.s32 $0x8000, s23;
	[sflag:s24] =	ssyncadd.s32 $0xFFFFE000  }
0x44: {  	[hbm4b:s25+s3] =	stream.linear.scatter [tilespmem:s13], [sflag:$0x9], $0x2000, $0x38;
	[tilespmem:$0xA200] =	vst v63  }
0x45: {  	_ =	swait.ge [sflag:s26], $0x2000  }
0x46: {  	[sflag:s26] =	ssyncset.done $0x0  }
0x47: {  	s29 =	simm.s32 $0x4;
	s28 =	sadd.s32 $0x10000, s23;
	[sflag:s26] =	ssyncadd.s32 $0xFFFFE000  }
0x48: {  	[hbm4b:s28+s3] =	stream.linear.scatter [tilespmem:s14], [sflag:$0x9], $0x2000, $0x38;
	[tilespmem:$0xA200] =	vst v63  }
0x49: {  	_ =	swait.ge [sflag:s29], $0x2000  }
0x4a: {  	[sflag:s29] =	ssyncset.done $0x0  }
0x4b: {  	s31 =	simm.s32 $0x9;
	s30 =	sadd.s32 $0x18000, s23;
	[sflag:s29] =	ssyncadd.s32 $0xFFFFE000  }
0x4c: {  	[hbm4b:s30+s3] =	stream.linear.scatter [tilespmem:s15], [sflag:$0x9], $0x2000, $0x38;
	[tilespmem:$0xA200] =	vst v63  }
0x4d: {  	_ =	swait.ge [sflag:s31], $0x2000  }
0x4e: {  	s2 =	ssub.s32 $0x2, s2;
	[sflag:s31] =	ssyncset.done $0x0  }
0x4f: {  	s6 =	sshrl.u32 s2, $0x1;
	[sflag:s31] =	ssyncadd.s32 $0xFFFFE000  }
0x50: {  	s0 =	ssub.s32 s2, s6;
	_ =	swait.ge [sflag:s31], $0x2000  }
0x51: {  	s0 =	smax.u32 s0, $0x1;
	[sflag:s31] =	ssyncset.done $0x0  }
0x52: {  	p0 =	sne.s32 s0, $0x1;
	[sflag:s31] =	ssyncadd.s32 $0xFFFFE000  }
.Ltmp0:
0x53: {  	_ =	swait.ge [sflag:s31], $0x2000;
	(pc) =	sbr.rel @!p0 .LBB2_3-.Ltmp0, $4  }
0x54: {  	[sflag:s31] =	ssyncset.done $0x0  }
0x55: {  	[sflag:s31] =	ssyncadd.s32 $0xFFFFE000  }
0x56: {  	_ =	swait.ge [sflag:s31], $0x2000  }
0x57: {  	s2 =	sadd.s32 $0xFFFFFFFF, s0;
	[sflag:s31] =	ssyncset.done $0x0  }
0x58: {  	s6 =	simm.s32 $0x80  }
.LBB2_2:
0x59: {  	[sflag:s31] =	ssyncadd.s32 $0xFFFFE000;
	s4 =	rddreg [dreg:$0xa]  }
0x5a: {  	[tilespmem:s3], [sflag:$0xA] =	stream.linear.gather [hbm4b:s4+s3], $0x40, $0x38;
	[tilespmem:$0xA200] =	vst v63  }
0x5b: {  	s0 =	rddreg [dreg:$0x6]  }
0x5c: {  	[tilespmem:s6], [sflag:$0xA] =	stream.linear.gather [hbm4b:s0+s3], $0x40, $0x38;
	[tilespmem:$0xA200] =	vst v63  }
0x5d: {  	s4 =	rddreg [dreg:$0x7]  }
0x5e: {  	[tilespmem:s7], [sflag:$0xA] =	stream.linear.gather [hbm4b:s4+s3], $0x40, $0x38;
	[tilespmem:$0xA200] =	vst v63  }
0x5f: {  	s0 =	rddreg [dreg:$0x8]  }
0x60: {  	[tilespmem:s9], [sflag:$0xA] =	stream.linear.gather [hbm4b:s0+s3], $0x40, $0x38;
	[tilespmem:$0xA200] =	vst v63  }
0x61: {  	s4 =	rddreg [dreg:$0x9]  }
0x62: {  	[tilespmem:s10], [sflag:$0x5] =	stream.linear.gather [hbm4b:s5+s3], $0x2000, $0x38;
	[tilespmem:$0xA200] =	vst v63  }
0x63: {  	[spmem:s11], [sflag:s4] =	dma.local [hbm:s5], $0x400  }
0x64: {  	_ =	swait.ge [sflag:s12], $0x400  }
0x65: {  	[sflag:s12] =	ssyncset.done $0x0  }
0x66: {  	[sflag:s12] =	ssyncadd.s32 $0xFFFFFC00  }
0x67: {  	[tilespmem:s13], [sflag:$0x6] =	stream.linear.gather [spmem:s8], $0x2000, $0x38;
	[tilespmem:$0xA200] =	vst v63  }
0x68: {  	_ = 	snop  }
0x69: {  	[tilespmem:s14], [sflag:$0x7] =	stream.linear.gather [spmem:s8], $0x2000, $0x38;
	[tilespmem:$0xA200] =	vst v63  }
0x6a: {  	_ = 	snop  }
0x6b: {  	[tilespmem:s15], [sflag:$0x8] =	stream.linear.gather [spmem:s8], $0x2000, $0x38;
	[tilespmem:$0xA200] =	vst v63  }
0x6c: {  	_ =	swait.ge [sflag:s16], $0x40  }
0x6d: {  	[sflag:s16] =	ssyncset.done $0x0  }
0x6e: {  	[sflag:s16] =	ssyncadd.s32 $0xFFFFFFC0  }
0x6f: {  	_ =	swait.ge [sflag:s17], $0x2000  }
0x70: {  	[sflag:s17] =	ssyncset.done $0x0  }
0x71: {  	[sflag:s17] =	ssyncadd.s32 $0xFFFFE000  }
0x72: {  	[tilespmem:s10], [sflag:$0x1] =	stream.indirect.gather.add.f32 [hbm:s1], $0x80, s3, s18, $0xb8;
	[tilespmem:$0xA200] =	vst v63  }
0x73: {  	_ =	swait.ge [sflag:s16], $0x40  }
0x74: {  	[sflag:s16] =	ssyncset.done $0x0  }
0x75: {  	[sflag:s16] =	ssyncadd.s32 $0xFFFFFFC0  }
0x76: {  	_ =	swait.ge [sflag:s19], $0x2000  }
0x77: {  	[sflag:s19] =	ssyncset.done $0x0  }
0x78: {  	[sflag:s19] =	ssyncadd.s32 $0xFFFFE000  }
0x79: {  	[tilespmem:s13], [sflag:$0x2] =	stream.indirect.gather.add.f32 [hbm:s1], $0x80, s6, s18, $0xb8;
	[tilespmem:$0xA200] =	vst v63  }
0x7a: {  	_ =	swait.ge [sflag:s16], $0x40  }
0x7b: {  	[sflag:s16] =	ssyncset.done $0x0  }
0x7c: {  	[sflag:s16] =	ssyncadd.s32 $0xFFFFFFC0  }
0x7d: {  	_ =	swait.ge [sflag:s20], $0x2000  }
0x7e: {  	[sflag:s20] =	ssyncset.done $0x0  }
0x7f: {  	[sflag:s20] =	ssyncadd.s32 $0xFFFFE000  }
0x80: {  	[tilespmem:s14], [sflag:$0x3] =	stream.indirect.gather.add.f32 [hbm:s1], $0x80, s7, s18, $0xb8;
	[tilespmem:$0xA200] =	vst v63  }
0x81: {  	_ =	swait.ge [sflag:s16], $0x40  }
0x82: {  	[sflag:s16] =	ssyncset.done $0x0  }
0x83: {  	[sflag:s16] =	ssyncadd.s32 $0xFFFFFFC0  }
0x84: {  	_ =	swait.ge [sflag:s21], $0x2000  }
0x85: {  	[sflag:s21] =	ssyncset.done $0x0  }
0x86: {  	[sflag:s21] =	ssyncadd.s32 $0xFFFFE000  }
0x87: {  	[tilespmem:s15], [sflag:$0x4] =	stream.indirect.gather.add.f32 [hbm:s1], $0x80, s9, s18, $0xb8;
	[tilespmem:$0xA200] =	vst v63  }
0x88: {  	_ =	swait.ge [sflag:s22], $0x2000  }
0x89: {  	[sflag:s22] =	ssyncset.done $0x0  }
0x8a: {  	[sflag:s22] =	ssyncadd.s32 $0xFFFFE000  }
0x8b: {  	[hbm4b:s23+s3] =	stream.linear.scatter [tilespmem:s10], [sflag:$0x9], $0x2000, $0x38;
	[tilespmem:$0xA200] =	vst v63  }
0x8c: {  	_ =	swait.ge [sflag:s24], $0x2000  }
0x8d: {  	[sflag:s24] =	ssyncset.done $0x0  }
0x8e: {  	[sflag:s24] =	ssyncadd.s32 $0xFFFFE000  }
0x8f: {  	[hbm4b:s25+s3] =	stream.linear.scatter [tilespmem:s13], [sflag:$0x9], $0x2000, $0x38;
	[tilespmem:$0xA200] =	vst v63  }
0x90: {  	_ =	swait.ge [sflag:s26], $0x2000  }
0x91: {  	[sflag:s26] =	ssyncset.done $0x0  }
0x92: {  	[sflag:s26] =	ssyncadd.s32 $0xFFFFE000  }
0x93: {  	[hbm4b:s28+s3] =	stream.linear.scatter [tilespmem:s14], [sflag:$0x9], $0x2000, $0x38;
	[tilespmem:$0xA200] =	vst v63  }
0x94: {  	_ =	swait.ge [sflag:s29], $0x2000  }
0x95: {  	[sflag:s29] =	ssyncset.done $0x0  }
0x96: {  	[sflag:s29] =	ssyncadd.s32 $0xFFFFE000  }
0x97: {  	[hbm4b:s30+s3] =	stream.linear.scatter [tilespmem:s15], [sflag:$0x9], $0x2000, $0x38;
	[tilespmem:$0xA200] =	vst v63  }
0x98: {  	_ =	swait.ge [sflag:s31], $0x2000  }
0x99: {  	[sflag:s31] =	ssyncset.done $0x0  }
0x9a: {  	[sflag:s31] =	ssyncadd.s32 $0xFFFFE000  }
0x9b: {  	_ =	swait.ge [sflag:s31], $0x2000  }
0x9c: {  	[sflag:s31] =	ssyncset.done $0x0  }
0x9d: {  	p0 =	sne.s32 s2, $0x1;
	[sflag:s31] =	ssyncadd.s32 $0xFFFFE000  }
.Ltmp1:
0x9e: {  	_ =	swait.ge [sflag:s31], $0x2000;
	(pc) =	sbr.rel @p0 .LBB2_2-.Ltmp1, $4  }
0x9f: {  	[sflag:s31] =	ssyncset.done $0x0  }
0xa0: {  	[sflag:s31] =	ssyncadd.s32 $0xFFFFE000  }
0xa1: {  	_ =	swait.ge [sflag:s31], $0x2000  }
0xa2: {  	s2 =	sadd.s32 $0xFFFFFFFF, s2;
	[sflag:s31] =	ssyncset.done $0x0  }
.LBB2_3:
0xa3: {  	[sflag:s31] =	ssyncadd.s32 $0xFFFFE000  }
0xa4: {  	_ =	sfence.sel $0x180000  }
0xa5: {  	[bflag:$0x0] =	sbarrier.arrive $0xFFFF  }
0xa6: {  	_ =	strace $0x90000047  }
0xa7: {  	s0 =	stileid.u32;
	[bflag:$0x2] =	sbarrier.arrive $0xFFFF  }
0xa8: {  	p0 =	sne.s32 s0, $0x0;
	s0 =	rddreg [dreg:$0x5]  }
0xa9: {  	s0 =	sadd.s32 @!p0 $0x100000, s0  }
0xaa: {  	[sflag:s0] =	ssyncadd.tile.s32 @!p0 $0x1;
	_ =	shalt  }
.Lfunc_end2:
_tile_overlayer_lowered:
.L_overlay_start_2:
0xab: {  	(tag) =	ssettag $0x2  }
0xac: {  	s0 =	rddreg [dreg:$0x0];
	s2 =	stileid.u32  }
0xad: {  	s1 =	rddreg [dreg:$0x1];
	p0 =	sne.s32 s2, $0x0  }
0xae: {  	s3 =	rddreg [dreg:$0x2];
	[bflag:$0x3] =	sbarrier.arrive $0xFFFF;
	s2 =	simm.s32 @!p0 $0x1C0C  }
0xaf: {  	[timem:s3], [sflag:s2] =	dma.local @!p0 [hbm:s0], s1  }
0xb0: {  	s0 =	simm.s32 @!p0 $0xC  }
0xb1: {  	_ =	swait.ge @!p0 [sflag:s0], s1  }
0xb2: {  	s1 =	ssub.s32 @!p0 $0x0, s1;
	[sflag:s0] =	ssyncset.done @!p0 $0x0  }
0xb3: {  	[sflag:s0] =	ssyncadd.s32 @!p0 s1  }
0xb4: {  	[bflag:$0x3] =	sbarrier.arrive $0xFFFF  }
0xb5: {  	_ =	shalt  }

</sc_bundles>
